<compile_context>
chip_gen: v7x
topology: tpu7x:2x2x1
jax: 0.10.2.dev20260603
libtpu: 0.0.44.dev20260713+nightly
codegen_flags: <defaults>
</compile_context>

<pallas_src>
import functools

import jax
import jax.numpy as jnp
from jax import lax
from jax.experimental import pallas as pl
from jax.experimental.pallas import tpu as pltpu
from jax.experimental.pallas import tpu_sc as plsc

N = 16 * 512 * 512
NC, NS, L = 2, 16, 16
NW = NC * NS
ROWS_PER_TILE = 256
CROWS = 16
CHUNK = CROWS * 512
NCHUNK = ROWS_PER_TILE // CROWS
SHIFT = 16
NB = 1 << 15
HSIZE = 2 * NB


def _sc_hist_body(pred_hbm, tgt_hbm, hist_hbm, psum_hbm, pred_v, tgt_v,
                  hist_v, acc_v, sem0, sem1):
    cid = lax.axis_index("c")
    sid = lax.axis_index("s")
    wid = sid * NC + cid
    img = wid // 2
    half = wid % 2
    sems = (sem0, sem1)

    zeros16 = jnp.zeros((L,), jnp.float32)
    ones16 = jnp.ones((L,), jnp.float32)

    @plsc.parallel_loop(0, HSIZE // (4 * L), unroll=8)
    def _(i):
        r = i // 2
        c = (i % 2) * 64
        for u in range(4):
            hist_v[r, pl.ds(c + u * L, L)] = zeros16

    def start(k, b):
        r0 = half * ROWS_PER_TILE + k * CROWS
        pltpu.async_copy(pred_hbm.at[img, pl.ds(r0, CROWS)], pred_v.at[b],
                         sems[b])
        pltpu.async_copy(tgt_hbm.at[img, pl.ds(r0, CROWS)], tgt_v.at[b],
                         sems[b])

    def wait(b):
        pltpu.make_async_copy(pred_hbm.at[0, pl.ds(0, CROWS)], pred_v.at[b],
                              sems[b]).wait()
        pltpu.make_async_copy(tgt_hbm.at[0, pl.ds(0, CROWS)], tgt_v.at[b],
                              sems[b]).wait()

    start(0, 0)

    def chunk_pair(g, acc):
        for b in range(2):
            k = 2 * g + b

            @pl.when(k + 1 < NCHUNK)
            def _():
                start(k + 1, 1 - b)

            wait(b)

            def inner(i, acc):
                r = lax.shift_right_logical(i, 5)
                c = (i & 31) * L
                pv = pred_v[b, r, pl.ds(c, L)]
                tv = tgt_v[b, r, pl.ds(c, L)]
                tf = tv.astype(jnp.float32)
                e = 1.0 - pv * (2.0 * tf - 1.0)
                acc = acc + tf
                mask = e > 0.0
                bits = lax.bitcast_convert_type(e, jnp.int32)
                idx = lax.shift_right_logical(bits, SHIFT) + tv * NB
                ridx = lax.shift_right_logical(idx, 7)
                cidx = idx & 127
                plsc.addupdate_scatter(hist_v, (ridx, cidx), ones16,
                                       mask=mask)
                return acc

            acc = plsc.parallel_loop(0, CHUNK // L, unroll=8,
                                     carry=acc)(inner)
        return acc

    acc = lax.fori_loop(0, NCHUNK // 2, chunk_pair, zeros16)
    acc_v[...] = acc
    pltpu.sync_copy(hist_v, hist_hbm.at[wid])
    pltpu.sync_copy(acc_v, psum_hbm.at[wid])


@functools.cache
def _get_sc_hist():
    return pl.kernel(
        _sc_hist_body,
        out_type=(
            jax.ShapeDtypeStruct((NW, 512, 128), jnp.float32),
            jax.ShapeDtypeStruct((NW, L), jnp.float32),
        ),
        mesh=plsc.VectorSubcoreMesh(core_axis_name="c", subcore_axis_name="s"),
        compiler_params=pltpu.CompilerParams(needs_layout_passes=False),
        scratch_types=[
            pltpu.VMEM((2, CROWS, 512), jnp.float32),
            pltpu.VMEM((2, CROWS, 512), jnp.int32),
            pltpu.VMEM((512, 128), jnp.float32),
            pltpu.VMEM((L,), jnp.float32),
            pltpu.SemaphoreType.DMA,
            pltpu.SemaphoreType.DMA,
        ],
    )


def _suffix_counts(a):
    rows, cols = a.shape
    ii = lax.broadcasted_iota(jnp.int32, (cols, cols), 0)
    jj = lax.broadcasted_iota(jnp.int32, (cols, cols), 1)
    upper = jnp.where(ii <= jj, 1.0, 0.0).astype(jnp.float32)
    pref = jnp.dot(a, upper, preferred_element_type=jnp.float32,
                   precision=lax.Precision.HIGHEST)
    rtot = pref[:, cols - 1:cols]
    ri = lax.broadcasted_iota(jnp.int32, (rows, rows), 0)
    rj = lax.broadcasted_iota(jnp.int32, (rows, rows), 1)
    lstrict = jnp.where(rj < ri, 1.0, 0.0).astype(jnp.float32)
    roff = jnp.dot(lstrict, rtot, preferred_element_type=jnp.float32,
                   precision=lax.Precision.HIGHEST)
    prefix_incl = pref + roff
    total = jnp.sum(a)
    return total - prefix_incl + a


def _tc_reduce_kernel(hist_ref, psum_ref, out_ref):
    h = jnp.sum(hist_ref[...], axis=0)
    hneg = h[:256, :]
    hpos = h[256:, :]
    c = _suffix_counts(hpos)
    f = _suffix_counts(hneg)
    p = jnp.sum(psum_ref[...])

    b = (lax.broadcasted_iota(jnp.int32, (256, 128), 0) * 128
         + lax.broadcasted_iota(jnp.int32, (256, 128), 1))
    v_next = lax.bitcast_convert_type(
        jnp.minimum(b + 1, NB - 1) << SHIFT, jnp.float32)
    v_prev = lax.bitcast_convert_type(
        jnp.maximum(b - 1, 0) << SHIFT, jnp.float32)
    wsum = jnp.where(b >= 32639, 0.0, (v_next - v_prev) * 0.5)

    jac = (c + f) / jnp.maximum(p + f, 1.0)
    out_ref[0, 0] = jnp.sum(jac * wsum)


def kernel(predictions, targets):
    hist, psum = _get_sc_hist()(predictions, targets)
    loss = pl.pallas_call(
        _tc_reduce_kernel,
        out_shape=jax.ShapeDtypeStruct((1, 1), jnp.float32),
        in_specs=[
            pl.BlockSpec(memory_space=pltpu.VMEM),
            pl.BlockSpec(memory_space=pltpu.VMEM),
        ],
        out_specs=pl.BlockSpec(memory_space=pltpu.SMEM),
    )(hist, psum)
    return loss.reshape(())

# --- scband reference (transcript-rebuilt; emitter-appended) ---
"""Pipeline reference for scband-lovasz-hinge-loss-46918222741547 (READ-ONLY COPY).

The authoritative reference and input builder live on the scoring server;
editing this copy changes nothing except your own understanding.
"""

import jax, jax.numpy as jnp
import numpy as np


def setup_inputs(seed: int = 0) -> dict:
    key = jax.random.key(seed)
    k1, k2 = jax.random.split(key)
    predictions = jax.random.normal(k1, (16, 512, 512), dtype=jnp.float32)
    targets = jax.random.randint(k2, (16, 512, 512), 0, 2).astype(jnp.int32)
    return {"predictions": predictions, "targets": targets}


def reference(predictions, targets):
    # faithful to torch module: sigmoid is computed but unused (per_image=False path)
    _ = jax.nn.sigmoid(predictions)
    # flatten_binary_scores (ignore=None)
    logits = predictions.reshape(-1)
    labels = targets.reshape(-1).astype(jnp.float32)
    # lovasz_hinge_flat
    signs = 2.0 * labels - 1.0
    errors = 1.0 - logits * signs
    perm = jnp.argsort(-errors)  # descending sort
    errors_sorted = errors[perm]
    gt_sorted = labels[perm]
    # lovasz_grad (gradient of the Lovasz extension w.r.t. sorted errors)
    gts = gt_sorted.sum()
    intersection = gts - jnp.cumsum(gt_sorted)
    union = gts + jnp.cumsum(1.0 - gt_sorted)
    jaccard = 1.0 - intersection / union
    grad = jnp.concatenate([jaccard[:1], jaccard[1:] - jaccard[:-1]])
    loss = jnp.dot(jax.nn.relu(errors_sorted), grad)
    return loss

if __name__ == "__main__":
    import jax
    _d = setup_inputs()
    print(jax.jit(kernel)(*tuple(_d.values())))

</pallas_src>

<mosaic_0001>
#map = affine_map<(d0, d1) -> (0, 0, 0)>
#map1 = affine_map<(d0, d1) -> (0, 0)>
module attributes {stable_mosaic.version = 14 : i64} {
  func.func @_sc_hist_body(%arg0: i32, %arg1: i32, %arg2: memref<16x512x512xf32, #tpu.memory_space<hbm>>, %arg3: memref<16x512x512xi32, #tpu.memory_space<hbm>>, %arg4: memref<32x512x128xf32, #tpu.memory_space<hbm>>, %arg5: memref<32x16xf32, #tpu.memory_space<hbm>>, %arg6: memref<2x16x512xf32, #tpu.memory_space<vmem>>, %arg7: memref<2x16x512xi32, #tpu.memory_space<vmem>>, %arg8: memref<512x128xf32, #tpu.memory_space<vmem>>, %arg9: memref<16xf32, #tpu.memory_space<vmem>>, %arg10: memref<!tpu.dma_semaphore, #tpu.memory_space<semaphore_mem>>, %arg11: memref<!tpu.dma_semaphore, #tpu.memory_space<semaphore_mem>>) attributes {dimension_semantics = [#tpu.dimension_semantics<core_parallel>, #tpu.dimension_semantics<subcore_parallel>], iteration_bounds = array<i64: 2, 16>, scalar_prefetch = 0 : i64, scratch_operands = 6 : i64, tpu.core_type = #tpu.core_type<sc_vector_subcore>, window_params = [{transform_indices = #map}, {transform_indices = #map}, {transform_indices = #map}, {transform_indices = #map1}]} {
    %mul3A = arith.constant 2 : i32
    %mul3A_0 = arith.muli %arg1, %mul3A : i32
    %add3A = arith.addi %mul3A_0, %arg0 : i32
    %jit3A = arith.constant 2 : i32
    %div3A = arith.divsi %add3A, %jit3A : i32
    %sign3A = arith.constant 0 : i32
    %sign3A_1 = arith.cmpi sgt, %add3A, %sign3A : i32
    %sign3A_2 = arith.extui %sign3A_1 : i1 to i32
    %sign3A_3 = arith.constant 0 : i32
    %sign3A_4 = arith.cmpi slt, %add3A, %sign3A_3 : i32
    %sign3A_5 = arith.extui %sign3A_4 : i1 to i32
    %sign3A_6 = arith.subi %sign3A_2, %sign3A_5 : i32
    %sign3A_7 = arith.constant 0 : i32
    %sign3A_8 = arith.cmpi sgt, %jit3A, %sign3A_7 : i32
    %sign3A_9 = arith.extui %sign3A_8 : i1 to i32
    %sign3A_10 = arith.constant 0 : i32
    %sign3A_11 = arith.cmpi slt, %jit3A, %sign3A_10 : i32
    %sign3A_12 = arith.extui %sign3A_11 : i1 to i32
    %sign3A_13 = arith.subi %sign3A_9, %sign3A_12 : i32
    %ne3A = arith.cmpi ne, %sign3A_6, %sign3A_13 : i32
    %rem3A = arith.remsi %add3A, %jit3A : i32
    %ne3A_14 = arith.constant 0 : i32
    %ne3A_15 = arith.cmpi ne, %rem3A, %ne3A_14 : i32
    %and3A = arith.andi %ne3A, %ne3A_15 : i1
    %sub3A = arith.constant 1 : i32
    %sub3A_16 = arith.subi %div3A, %sub3A : i32
    %select_n3A = arith.select %and3A, %sub3A_16, %div3A : i32
    %jit3A_17 = arith.constant 2 : i32
    %eq3A = arith.constant 0 : i32
    %eq3A_18 = arith.cmpi eq, %jit3A_17, %eq3A : i32
    %jit3A_19 = arith.constant 1 : i32
    %select_n3A_20 = arith.select %eq3A_18, %jit3A_19, %jit3A_17 : i32
    %rem3A_21 = arith.remsi %add3A, %select_n3A_20 : i32
    %ne3A_22 = arith.constant 0 : i32
    %ne3A_23 = arith.cmpi ne, %rem3A_21, %ne3A_22 : i32
    %lt3A = arith.constant 0 : i32
    %lt3A_24 = arith.cmpi slt, %rem3A_21, %lt3A : i32
    %lt3A_25 = arith.constant 0 : i32
    %lt3A_26 = arith.cmpi slt, %select_n3A_20, %lt3A_25 : i32
    %ne3A_27 = arith.xori %lt3A_24, %lt3A_26 : i1
    %and3A_28 = arith.andi %ne3A_27, %ne3A_23 : i1
    %add3A_29 = arith.addi %rem3A_21, %select_n3A_20 : i32
    %select_n3A_30 = arith.select %and3A_28, %add3A_29, %rem3A_21 : i32
    %broadcast_in_dim3A = arith.constant 0.000000e+00 : f32
    %broadcast_in_dim3A_31 = vector.broadcast %broadcast_in_dim3A : f32 to vector<16xf32>
    %broadcast_in_dim3A_32 = arith.constant 1.000000e+00 : f32
    %broadcast_in_dim3A_33 = vector.broadcast %broadcast_in_dim3A_32 : f32 to vector<16xf32>
    %parallel_loop3A = arith.constant 0 : i32
    %parallel_loop3A_34 = arith.constant 1024 : i32
    %parallel_loop3A_35 = arith.constant 1 : i32
    scf.for %parallel_loop3A_75 = %parallel_loop3A to %parallel_loop3A_34 step %parallel_loop3A_35  : i32 {
      %parallel_loop3A_76 = arith.constant 2 : i32
      %parallel_loop3A_77 = arith.divsi %parallel_loop3A_75, %parallel_loop3A_76 : i32
      %parallel_loop3A_78 = arith.constant 0 : i32
      %parallel_loop3A_79 = arith.cmpi sgt, %parallel_loop3A_75, %parallel_loop3A_78 : i32
      %parallel_loop3A_80 = arith.extui %parallel_loop3A_79 : i1 to i32
      %parallel_loop3A_81 = arith.constant 0 : i32
      %parallel_loop3A_82 = arith.cmpi slt, %parallel_loop3A_75, %parallel_loop3A_81 : i32
      %parallel_loop3A_83 = arith.extui %parallel_loop3A_82 : i1 to i32
      %parallel_loop3A_84 = arith.subi %parallel_loop3A_80, %parallel_loop3A_83 : i32
      %parallel_loop3A_85 = arith.constant 0 : i32
      %parallel_loop3A_86 = arith.cmpi sgt, %parallel_loop3A_76, %parallel_loop3A_85 : i32
      %parallel_loop3A_87 = arith.extui %parallel_loop3A_86 : i1 to i32
      %parallel_loop3A_88 = arith.constant 0 : i32
      %parallel_loop3A_89 = arith.cmpi slt, %parallel_loop3A_76, %parallel_loop3A_88 : i32
      %parallel_loop3A_90 = arith.extui %parallel_loop3A_89 : i1 to i32
      %parallel_loop3A_91 = arith.subi %parallel_loop3A_87, %parallel_loop3A_90 : i32
      %parallel_loop3A_92 = arith.cmpi ne, %parallel_loop3A_84, %parallel_loop3A_91 : i32
      %parallel_loop3A_93 = arith.remsi %parallel_loop3A_75, %parallel_loop3A_76 : i32
      %parallel_loop3A_94 = arith.constant 0 : i32
      %parallel_loop3A_95 = arith.cmpi ne, %parallel_loop3A_93, %parallel_loop3A_94 : i32
      %parallel_loop3A_96 = arith.andi %parallel_loop3A_92, %parallel_loop3A_95 : i1
      %parallel_loop3A_97 = arith.constant 1 : i32
      %parallel_loop3A_98 = arith.subi %parallel_loop3A_77, %parallel_loop3A_97 : i32
      %parallel_loop3A_99 = arith.select %parallel_loop3A_96, %parallel_loop3A_98, %parallel_loop3A_77 : i32
      %parallel_loop3A_100 = arith.constant 2 : i32
      %parallel_loop3A_101 = arith.constant 0 : i32
      %parallel_loop3A_102 = arith.cmpi eq, %parallel_loop3A_100, %parallel_loop3A_101 : i32
      %parallel_loop3A_103 = arith.constant 1 : i32
      %parallel_loop3A_104 = arith.select %parallel_loop3A_102, %parallel_loop3A_103, %parallel_loop3A_100 : i32
      %parallel_loop3A_105 = arith.remsi %parallel_loop3A_75, %parallel_loop3A_104 : i32
      %parallel_loop3A_106 = arith.constant 0 : i32
      %parallel_loop3A_107 = arith.cmpi ne, %parallel_loop3A_105, %parallel_loop3A_106 : i32
      %parallel_loop3A_108 = arith.constant 0 : i32
      %parallel_loop3A_109 = arith.cmpi slt, %parallel_loop3A_105, %parallel_loop3A_108 : i32
      %parallel_loop3A_110 = arith.constant 0 : i32
      %parallel_loop3A_111 = arith.cmpi slt, %parallel_loop3A_104, %parallel_loop3A_110 : i32
      %parallel_loop3A_112 = arith.xori %parallel_loop3A_109, %parallel_loop3A_111 : i1
      %parallel_loop3A_113 = arith.andi %parallel_loop3A_112, %parallel_loop3A_107 : i1
      %parallel_loop3A_114 = arith.addi %parallel_loop3A_105, %parallel_loop3A_104 : i32
      %parallel_loop3A_115 = arith.select %parallel_loop3A_113, %parallel_loop3A_114, %parallel_loop3A_105 : i32
      %parallel_loop3A_116 = arith.constant 64 : i32
      %parallel_loop3A_117 = arith.muli %parallel_loop3A_115, %parallel_loop3A_116 : i32
      %parallel_loop3A_118 = arith.constant 0 : i32
      %parallel_loop3A_119 = arith.addi %parallel_loop3A_117, %parallel_loop3A_118 : i32
      %parallel_loop3A_120 = arith.index_cast %parallel_loop3A_99 : i32 to index
      %parallel_loop3A_121 = arith.index_cast %parallel_loop3A_119 : i32 to index
      %parallel_loop3A_122 = tpu.vector_load %arg8[%parallel_loop3A_120, %parallel_loop3A_121] {strides = array<i32>} : memref<512x128xf32, #tpu.memory_space<vmem>>, vector<16xf32>,
      tpu.vector_store %arg8[%parallel_loop3A_120, %parallel_loop3A_121], %broadcast_in_dim3A_31 {strides = array<i32>} : memref<512x128xf32, #tpu.memory_space<vmem>>, vector<16xf32>,
      %parallel_loop3A_123 = arith.constant 16 : i32
      %parallel_loop3A_124 = arith.addi %parallel_loop3A_117, %parallel_loop3A_123 : i32
      %parallel_loop3A_125 = arith.index_cast %parallel_loop3A_99 : i32 to index
      %parallel_loop3A_126 = arith.index_cast %parallel_loop3A_124 : i32 to index
      %parallel_loop3A_127 = tpu.vector_load %arg8[%parallel_loop3A_125, %parallel_loop3A_126] {strides = array<i32>} : memref<512x128xf32, #tpu.memory_space<vmem>>, vector<16xf32>,
      tpu.vector_store %arg8[%parallel_loop3A_125, %parallel_loop3A_126], %broadcast_in_dim3A_31 {strides = array<i32>} : memref<512x128xf32, #tpu.memory_space<vmem>>, vector<16xf32>,
      %parallel_loop3A_128 = arith.constant 32 : i32
      %parallel_loop3A_129 = arith.addi %parallel_loop3A_117, %parallel_loop3A_128 : i32
      %parallel_loop3A_130 = arith.index_cast %parallel_loop3A_99 : i32 to index
      %parallel_loop3A_131 = arith.index_cast %parallel_loop3A_129 : i32 to index
      %parallel_loop3A_132 = tpu.vector_load %arg8[%parallel_loop3A_130, %parallel_loop3A_131] {strides = array<i32>} : memref<512x128xf32, #tpu.memory_space<vmem>>, vector<16xf32>,
      tpu.vector_store %arg8[%parallel_loop3A_130, %parallel_loop3A_131], %broadcast_in_dim3A_31 {strides = array<i32>} : memref<512x128xf32, #tpu.memory_space<vmem>>, vector<16xf32>,
      %parallel_loop3A_133 = arith.constant 48 : i32
      %parallel_loop3A_134 = arith.addi %parallel_loop3A_117, %parallel_loop3A_133 : i32
      %parallel_loop3A_135 = arith.index_cast %parallel_loop3A_99 : i32 to index
      %parallel_loop3A_136 = arith.index_cast %parallel_loop3A_134 : i32 to index
      %parallel_loop3A_137 = tpu.vector_load %arg8[%parallel_loop3A_135, %parallel_loop3A_136] {strides = array<i32>} : memref<512x128xf32, #tpu.memory_space<vmem>>, vector<16xf32>,
      tpu.vector_store %arg8[%parallel_loop3A_135, %parallel_loop3A_136], %broadcast_in_dim3A_31 {strides = array<i32>} : memref<512x128xf32, #tpu.memory_space<vmem>>, vector<16xf32>,
    } {sc.loop_unroll_factor = 8 : i64, sc.parallel_access}
    %mul3A_36 = arith.constant 256 : i32
    %mul3A_37 = arith.muli %select_n3A_30, %mul3A_36 : i32
    %add3A_38 = arith.constant 0 : i32
    %add3A_39 = arith.addi %mul3A_37, %add3A_38 : i32
    %dma_start3A = arith.constant 0 : i32
    %dma_start3A_40 = arith.constant 0 : i32
    %dma_start3A_41 = arith.constant 0 : i32
    %dma_start3A_42 = tpu.memref_slice %arg6[%dma_start3A, %dma_start3A_40, %dma_start3A_41] : memref<2x16x512xf32, #tpu.memory_space<vmem>> -> memref<1x16x512xf32, #tpu.memory_space<vmem>>
    %dma_start3A_43 = tpu.memref_squeeze %dma_start3A_42 : memref<1x16x512xf32, #tpu.memory_space<vmem>> -> memref<16x512xf32, #tpu.memory_space<vmem>>
    %dma_start3A_44 = arith.constant 0 : i32
    %dma_start3A_45 = tpu.memref_slice %arg2[%select_n3A, %add3A_39, %dma_start3A_44] : memref<16x512x512xf32, #tpu.memory_space<hbm>> -> memref<1x16x512xf32, #tpu.memory_space<hbm>>
    %dma_start3A_46 = tpu.memref_squeeze %dma_start3A_45 : memref<1x16x512xf32, #tpu.memory_space<hbm>> -> memref<16x512xf32, #tpu.memory_space<hbm>>
    %dma_start3A_47 = arith.constant 0 : i32
    %dma_start3A_48 = arith.constant 0 : i32
    %dma_start3A_49 = tpu.memref_slice %arg6[%dma_start3A, %dma_start3A_47, %dma_start3A_48] : memref<2x16x512xf32, #tpu.memory_space<vmem>> -> memref<1x16x512xf32, #tpu.memory_space<vmem>>
    %dma_start3A_50 = tpu.memref_squeeze %dma_start3A_49 : memref<1x16x512xf32, #tpu.memory_space<vmem>> -> memref<16x512xf32, #tpu.memory_space<vmem>>
    %dma_start3A_51 = arith.constant 0 : i32
    %dma_start3A_52 = tpu.memref_slice %arg2[%select_n3A, %add3A_39, %dma_start3A_51] : memref<16x512x512xf32, #tpu.memory_space<hbm>> -> memref<1x16x512xf32, #tpu.memory_space<hbm>>
    %dma_start3A_53 = tpu.memref_squeeze %dma_start3A_52 : memref<1x16x512xf32, #tpu.memory_space<hbm>> -> memref<16x512xf32, #tpu.memory_space<hbm>>
    tpu.enqueue_dma source(%dma_start3A_53 : memref<16x512xf32, #tpu.memory_space<hbm>>) target(%dma_start3A_50 : memref<16x512xf32, #tpu.memory_space<vmem>>) target_semaphore(%arg10 : memref<!tpu.dma_semaphore, #tpu.memory_space<semaphore_mem>>)
    %dma_start3A_54 = arith.constant 0 : i32
    %dma_start3A_55 = arith.constant 0 : i32
    %dma_start3A_56 = arith.constant 0 : i32
    %dma_start3A_57 = tpu.memref_slice %arg7[%dma_start3A_54, %dma_start3A_55, %dma_start3A_56] : memref<2x16x512xi32, #tpu.memory_space<vmem>> -> memref<1x16x512xi32, #tpu.memory_space<vmem>>
    %dma_start3A_58 = tpu.memref_squeeze %dma_start3A_57 : memref<1x16x512xi32, #tpu.memory_space<vmem>> -> memref<16x512xi32, #tpu.memory_space<vmem>>
    %dma_start3A_59 = arith.constant 0 : i32
    %dma_start3A_60 = tpu.memref_slice %arg3[%select_n3A, %add3A_39, %dma_start3A_59] : memref<16x512x512xi32, #tpu.memory_space<hbm>> -> memref<1x16x512xi32, #tpu.memory_space<hbm>>
    %dma_start3A_61 = tpu.memref_squeeze %dma_start3A_60 : memref<1x16x512xi32, #tpu.memory_space<hbm>> -> memref<16x512xi32, #tpu.memory_space<hbm>>
    %dma_start3A_62 = arith.constant 0 : i32
    %dma_start3A_63 = arith.constant 0 : i32
    %dma_start3A_64 = tpu.memref_slice %arg7[%dma_start3A_54, %dma_start3A_62, %dma_start3A_63] : memref<2x16x512xi32, #tpu.memory_space<vmem>> -> memref<1x16x512xi32, #tpu.memory_space<vmem>>
    %dma_start3A_65 = tpu.memref_squeeze %dma_start3A_64 : memref<1x16x512xi32, #tpu.memory_space<vmem>> -> memref<16x512xi32, #tpu.memory_space<vmem>>
    %dma_start3A_66 = arith.constant 0 : i32
    %dma_start3A_67 = tpu.memref_slice %arg3[%select_n3A, %add3A_39, %dma_start3A_66] : memref<16x512x512xi32, #tpu.memory_space<hbm>> -> memref<1x16x512xi32, #tpu.memory_space<hbm>>
    %dma_start3A_68 = tpu.memref_squeeze %dma_start3A_67 : memref<1x16x512xi32, #tpu.memory_space<hbm>> -> memref<16x512xi32, #tpu.memory_space<hbm>>
    tpu.enqueue_dma source(%dma_start3A_68 : memref<16x512xi32, #tpu.memory_space<hbm>>) target(%dma_start3A_65 : memref<16x512xi32, #tpu.memory_space<vmem>>) target_semaphore(%arg10 : memref<!tpu.dma_semaphore, #tpu.memory_space<semaphore_mem>>)
    %scan3A = arith.constant 0 : i32
    %scan3A_69 = arith.constant 8 : i32
    %scan3A_70 = arith.addi %scan3A, %scan3A_69 : i32
    %scan3A_71 = arith.constant 1 : i32
    %scan3A_72 = scf.for %scan3A_75 = %scan3A to %scan3A_70 step %scan3A_71 iter_args(%scan3A_76 = %broadcast_in_dim3A_31) -> (vector<16xf32>)  : i32 {
      %mul3A_77 = arith.constant 2 : i32
      %mul3A_78 = arith.muli %mul3A_77, %scan3A_75 : i32
      %add3A_79 = arith.constant 0 : i32
      %add3A_80 = arith.addi %mul3A_78, %add3A_79 : i32
      %add3A_81 = arith.constant 1 : i32
      %add3A_82 = arith.addi %add3A_80, %add3A_81 : i32
      %lt3A_83 = arith.constant 16 : i32
      %lt3A_84 = arith.cmpi slt, %add3A_82, %lt3A_83 : i32
      %convert_element_type3A = arith.extui %lt3A_84 : i1 to i32
      %cond3A = arith.constant 0 : i32
      %cond3A_85 = arith.cmpi ne, %convert_element_type3A, %cond3A : i32
      scf.if %cond3A_85 {
        %add3A_176 = arith.constant 1 : i32
        %add3A_177 = arith.addi %add3A_80, %add3A_176 : i32
        %mul3A_178 = arith.constant 256 : i32
        %mul3A_179 = arith.muli %select_n3A_30, %mul3A_178 : i32
        %mul3A_180 = arith.constant 16 : i32
        %mul3A_181 = arith.muli %add3A_177, %mul3A_180 : i32
        %add3A_182 = arith.addi %mul3A_179, %mul3A_181 : i32
        %dma_start3A_183 = arith.constant 1 : i32
        %dma_start3A_184 = arith.constant 0 : i32
        %dma_start3A_185 = arith.constant 0 : i32
        %dma_start3A_186 = tpu.memref_slice %arg6[%dma_start3A_183, %dma_start3A_184, %dma_start3A_185] : memref<2x16x512xf32, #tpu.memory_space<vmem>> -> memref<1x16x512xf32, #tpu.memory_space<vmem>>
        %dma_start3A_187 = tpu.memref_squeeze %dma_start3A_186 : memref<1x16x512xf32, #tpu.memory_space<vmem>> -> memref<16x512xf32, #tpu.memory_space<vmem>>
        %dma_start3A_188 = arith.constant 0 : i32
        %dma_start3A_189 = tpu.memref_slice %arg2[%select_n3A, %add3A_182, %dma_start3A_188] : memref<16x512x512xf32, #tpu.memory_space<hbm>> -> memref<1x16x512xf32, #tpu.memory_space<hbm>>
        %dma_start3A_190 = tpu.memref_squeeze %dma_start3A_189 : memref<1x16x512xf32, #tpu.memory_space<hbm>> -> memref<16x512xf32, #tpu.memory_space<hbm>>
        %dma_start3A_191 = arith.constant 0 : i32
        %dma_start3A_192 = arith.constant 0 : i32
        %dma_start3A_193 = tpu.memref_slice %arg6[%dma_start3A_183, %dma_start3A_191, %dma_start3A_192] : memref<2x16x512xf32, #tpu.memory_space<vmem>> -> memref<1x16x512xf32, #tpu.memory_space<vmem>>
        %dma_start3A_194 = tpu.memref_squeeze %dma_start3A_193 : memref<1x16x512xf32, #tpu.memory_space<vmem>> -> memref<16x512xf32, #tpu.memory_space<vmem>>
        %dma_start3A_195 = arith.constant 0 : i32
        %dma_start3A_196 = tpu.memref_slice %arg2[%select_n3A, %add3A_182, %dma_start3A_195] : memref<16x512x512xf32, #tpu.memory_space<hbm>> -> memref<1x16x512xf32, #tpu.memory_space<hbm>>
        %dma_start3A_197 = tpu.memref_squeeze %dma_start3A_196 : memref<1x16x512xf32, #tpu.memory_space<hbm>> -> memref<16x512xf32, #tpu.memory_space<hbm>>
        tpu.enqueue_dma source(%dma_start3A_197 : memref<16x512xf32, #tpu.memory_space<hbm>>) target(%dma_start3A_194 : memref<16x512xf32, #tpu.memory_space<vmem>>) target_semaphore(%arg11 : memref<!tpu.dma_semaphore, #tpu.memory_space<semaphore_mem>>)
        %dma_start3A_198 = arith.constant 1 : i32
        %dma_start3A_199 = arith.constant 0 : i32
        %dma_start3A_200 = arith.constant 0 : i32
        %dma_start3A_201 = tpu.memref_slice %arg7[%dma_start3A_198, %dma_start3A_199, %dma_start3A_200] : memref<2x16x512xi32, #tpu.memory_space<vmem>> -> memref<1x16x512xi32, #tpu.memory_space<vmem>>
        %dma_start3A_202 = tpu.memref_squeeze %dma_start3A_201 : memref<1x16x512xi32, #tpu.memory_space<vmem>> -> memref<16x512xi32, #tpu.memory_space<vmem>>
        %dma_start3A_203 = arith.constant 0 : i32
        %dma_start3A_204 = tpu.memref_slice %arg3[%select_n3A, %add3A_182, %dma_start3A_203] : memref<16x512x512xi32, #tpu.memory_space<hbm>> -> memref<1x16x512xi32, #tpu.memory_space<hbm>>
        %dma_start3A_205 = tpu.memref_squeeze %dma_start3A_204 : memref<1x16x512xi32, #tpu.memory_space<hbm>> -> memref<16x512xi32, #tpu.memory_space<hbm>>
        %dma_start3A_206 = arith.constant 0 : i32
        %dma_start3A_207 = arith.constant 0 : i32
        %dma_start3A_208 = tpu.memref_slice %arg7[%dma_start3A_198, %dma_start3A_206, %dma_start3A_207] : memref<2x16x512xi32, #tpu.memory_space<vmem>> -> memref<1x16x512xi32, #tpu.memory_space<vmem>>
        %dma_start3A_209 = tpu.memref_squeeze %dma_start3A_208 : memref<1x16x512xi32, #tpu.memory_space<vmem>> -> memref<16x512xi32, #tpu.memory_space<vmem>>
        %dma_start3A_210 = arith.constant 0 : i32
        %dma_start3A_211 = tpu.memref_slice %arg3[%select_n3A, %add3A_182, %dma_start3A_210] : memref<16x512x512xi32, #tpu.memory_space<hbm>> -> memref<1x16x512xi32, #tpu.memory_space<hbm>>
        %dma_start3A_212 = tpu.memref_squeeze %dma_start3A_211 : memref<1x16x512xi32, #tpu.memory_space<hbm>> -> memref<16x512xi32, #tpu.memory_space<hbm>>
        tpu.enqueue_dma source(%dma_start3A_212 : memref<16x512xi32, #tpu.memory_space<hbm>>) target(%dma_start3A_209 : memref<16x512xi32, #tpu.memory_space<vmem>>) target_semaphore(%arg11 : memref<!tpu.dma_semaphore, #tpu.memory_space<semaphore_mem>>)
      } else {
      }
      %dma_wait3A = arith.constant 0 : i32
      %dma_wait3A_86 = arith.constant 0 : i32
      %dma_wait3A_87 = arith.constant 0 : i32
      %dma_wait3A_88 = arith.constant 0 : i32
      %dma_wait3A_89 = tpu.memref_slice %arg6[%dma_wait3A_86, %dma_wait3A_87, %dma_wait3A_88] : memref<2x16x512xf32, #tpu.memory_space<vmem>> -> memref<1x16x512xf32, #tpu.memory_space<vmem>>
      %dma_wait3A_90 = tpu.memref_squeeze %dma_wait3A_89 : memref<1x16x512xf32, #tpu.memory_space<vmem>> -> memref<16x512xf32, #tpu.memory_space<vmem>>
      %dma_wait3A_91 = arith.constant 0 : i32
      %dma_wait3A_92 = arith.constant 0 : i32
      %dma_wait3A_93 = tpu.memref_slice %arg2[%dma_wait3A, %dma_wait3A_91, %dma_wait3A_92] : memref<16x512x512xf32, #tpu.memory_space<hbm>> -> memref<1x16x512xf32, #tpu.memory_space<hbm>>
      %dma_wait3A_94 = tpu.memref_squeeze %dma_wait3A_93 : memref<1x16x512xf32, #tpu.memory_space<hbm>> -> memref<16x512xf32, #tpu.memory_space<hbm>>
      %dma_wait3A_95 = arith.constant 0 : i32
      %dma_wait3A_96 = arith.constant 0 : i32
      %dma_wait3A_97 = tpu.memref_slice %arg6[%dma_wait3A_86, %dma_wait3A_95, %dma_wait3A_96] : memref<2x16x512xf32, #tpu.memory_space<vmem>> -> memref<1x16x512xf32, #tpu.memory_space<vmem>>
      %dma_wait3A_98 = tpu.memref_squeeze %dma_wait3A_97 : memref<1x16x512xf32, #tpu.memory_space<vmem>> -> memref<16x512xf32, #tpu.memory_space<vmem>>
      %dma_wait3A_99 = arith.constant 0 : i32
      %dma_wait3A_100 = arith.constant 0 : i32
      %dma_wait3A_101 = tpu.memref_slice %arg2[%dma_wait3A, %dma_wait3A_99, %dma_wait3A_100] : memref<16x512x512xf32, #tpu.memory_space<hbm>> -> memref<1x16x512xf32, #tpu.memory_space<hbm>>
      %dma_wait3A_102 = tpu.memref_squeeze %dma_wait3A_101 : memref<1x16x512xf32, #tpu.memory_space<hbm>> -> memref<16x512xf32, #tpu.memory_space<hbm>>
      tpu.wait_dma2 semaphore(%arg10 : memref<!tpu.dma_semaphore, #tpu.memory_space<semaphore_mem>>) src(%dma_wait3A_102 : memref<16x512xf32, #tpu.memory_space<hbm>>) dst(%dma_wait3A_98 : memref<16x512xf32, #tpu.memory_space<vmem>>)
      %dma_wait3A_103 = arith.constant 0 : i32
      %dma_wait3A_104 = arith.constant 0 : i32
      %dma_wait3A_105 = arith.constant 0 : i32
      %dma_wait3A_106 = arith.constant 0 : i32
      %dma_wait3A_107 = tpu.memref_slice %arg7[%dma_wait3A_104, %dma_wait3A_105, %dma_wait3A_106] : memref<2x16x512xi32, #tpu.memory_space<vmem>> -> memref<1x16x512xi32, #tpu.memory_space<vmem>>
      %dma_wait3A_108 = tpu.memref_squeeze %dma_wait3A_107 : memref<1x16x512xi32, #tpu.memory_space<vmem>> -> memref<16x512xi32, #tpu.memory_space<vmem>>
      %dma_wait3A_109 = arith.constant 0 : i32
      %dma_wait3A_110 = arith.constant 0 : i32
      %dma_wait3A_111 = tpu.memref_slice %arg3[%dma_wait3A_103, %dma_wait3A_109, %dma_wait3A_110] : memref<16x512x512xi32, #tpu.memory_space<hbm>> -> memref<1x16x512xi32, #tpu.memory_space<hbm>>
      %dma_wait3A_112 = tpu.memref_squeeze %dma_wait3A_111 : memref<1x16x512xi32, #tpu.memory_space<hbm>> -> memref<16x512xi32, #tpu.memory_space<hbm>>
      %dma_wait3A_113 = arith.constant 0 : i32
      %dma_wait3A_114 = arith.constant 0 : i32
      %dma_wait3A_115 = tpu.memref_slice %arg7[%dma_wait3A_104, %dma_wait3A_113, %dma_wait3A_114] : memref<2x16x512xi32, #tpu.memory_space<vmem>> -> memref<1x16x512xi32, #tpu.memory_space<vmem>>
      %dma_wait3A_116 = tpu.memref_squeeze %dma_wait3A_115 : memref<1x16x512xi32, #tpu.memory_space<vmem>> -> memref<16x512xi32, #tpu.memory_space<vmem>>
      %dma_wait3A_117 = arith.constant 0 : i32
      %dma_wait3A_118 = arith.constant 0 : i32
      %dma_wait3A_119 = tpu.memref_slice %arg3[%dma_wait3A_103, %dma_wait3A_117, %dma_wait3A_118] : memref<16x512x512xi32, #tpu.memory_space<hbm>> -> memref<1x16x512xi32, #tpu.memory_space<hbm>>
      %dma_wait3A_120 = tpu.memref_squeeze %dma_wait3A_119 : memref<1x16x512xi32, #tpu.memory_space<hbm>> -> memref<16x512xi32, #tpu.memory_space<hbm>>
      tpu.wait_dma2 semaphore(%arg10 : memref<!tpu.dma_semaphore, #tpu.memory_space<semaphore_mem>>) src(%dma_wait3A_120 : memref<16x512xi32, #tpu.memory_space<hbm>>) dst(%dma_wait3A_116 : memref<16x512xi32, #tpu.memory_space<vmem>>)
      %parallel_loop3A_121 = arith.constant 0 : i32
      %parallel_loop3A_122 = arith.constant 512 : i32
      %parallel_loop3A_123 = arith.constant 1 : i32
      %parallel_loop3A_124 = scf.for %parallel_loop3A_176 = %parallel_loop3A_121 to %parallel_loop3A_122 step %parallel_loop3A_123 iter_args(%parallel_loop3A_177 = %scan3A_76) -> (vector<16xf32>)  : i32 {
        %parallel_loop3A_178 = arith.constant 5 : i32
        %parallel_loop3A_179 = arith.shrui %parallel_loop3A_176, %parallel_loop3A_178 : i32
        %parallel_loop3A_180 = arith.constant 31 : i32
        %parallel_loop3A_181 = arith.andi %parallel_loop3A_176, %parallel_loop3A_180 : i32
        %parallel_loop3A_182 = arith.constant 16 : i32
        %parallel_loop3A_183 = arith.muli %parallel_loop3A_181, %parallel_loop3A_182 : i32
        %parallel_loop3A_184 = arith.constant 0 : i32
        %parallel_loop3A_185 = arith.index_cast %parallel_loop3A_184 : i32 to index
        %parallel_loop3A_186 = arith.index_cast %parallel_loop3A_179 : i32 to index
        %parallel_loop3A_187 = arith.index_cast %parallel_loop3A_183 : i32 to index
        %parallel_loop3A_188 = tpu.vector_load %arg6[%parallel_loop3A_185, %parallel_loop3A_186, %parallel_loop3A_187] {strides = array<i32>} : memref<2x16x512xf32, #tpu.memory_space<vmem>>, vector<16xf32>,
        %parallel_loop3A_189 = arith.constant 0 : i32
        %parallel_loop3A_190 = arith.index_cast %parallel_loop3A_189 : i32 to index
        %parallel_loop3A_191 = arith.index_cast %parallel_loop3A_179 : i32 to index
        %parallel_loop3A_192 = arith.index_cast %parallel_loop3A_183 : i32 to index
        %parallel_loop3A_193 = tpu.vector_load %arg7[%parallel_loop3A_190, %parallel_loop3A_191, %parallel_loop3A_192] {strides = array<i32>} : memref<2x16x512xi32, #tpu.memory_space<vmem>>, vector<16xi32>,
        %parallel_loop3A_194 = arith.sitofp %parallel_loop3A_193 : vector<16xi32> to vector<16xf32>
        %parallel_loop3A_195 = arith.constant 2.000000e+00 : f32
        %parallel_loop3A_196 = vector.broadcast %parallel_loop3A_195 : f32 to vector<16xf32>
        %parallel_loop3A_197 = arith.mulf %parallel_loop3A_196, %parallel_loop3A_194 : vector<16xf32>
        %parallel_loop3A_198 = arith.constant 1.000000e+00 : f32
        %parallel_loop3A_199 = vector.broadcast %parallel_loop3A_198 : f32 to vector<16xf32>
        %parallel_loop3A_200 = arith.subf %parallel_loop3A_197, %parallel_loop3A_199 : vector<16xf32>
        %parallel_loop3A_201 = arith.mulf %parallel_loop3A_188, %parallel_loop3A_200 : vector<16xf32>
        %parallel_loop3A_202 = arith.constant 1.000000e+00 : f32
        %parallel_loop3A_203 = vector.broadcast %parallel_loop3A_202 : f32 to vector<16xf32>
        %parallel_loop3A_204 = arith.subf %parallel_loop3A_203, %parallel_loop3A_201 : vector<16xf32>
        %parallel_loop3A_205 = arith.addf %parallel_loop3A_177, %parallel_loop3A_194 : vector<16xf32>
        %parallel_loop3A_206 = arith.constant 0.000000e+00 : f32
        %parallel_loop3A_207 = vector.broadcast %parallel_loop3A_206 : f32 to vector<16xf32>
        %parallel_loop3A_208 = arith.cmpf ogt, %parallel_loop3A_204, %parallel_loop3A_207 : vector<16xf32>
        %parallel_loop3A_209 = tpu.bitcast %parallel_loop3A_204 : vector<16xf32> -> vector<16xi32>
        %parallel_loop3A_210 = arith.constant 16 : i32
        %parallel_loop3A_211 = vector.broadcast %parallel_loop3A_210 : i32 to vector<16xi32>
        %parallel_loop3A_212 = arith.shrui %parallel_loop3A_209, %parallel_loop3A_211 : vector<16xi32>
        %parallel_loop3A_213 = arith.constant 32768 : i32
        %parallel_loop3A_214 = vector.broadcast %parallel_loop3A_213 : i32 to vector<16xi32>
        %parallel_loop3A_215 = arith.muli %parallel_loop3A_193, %parallel_loop3A_214 : vector<16xi32>
        %parallel_loop3A_216 = arith.addi %parallel_loop3A_212, %parallel_loop3A_215 : vector<16xi32>
        %parallel_loop3A_217 = arith.constant 7 : i32
        %parallel_loop3A_218 = vector.broadcast %parallel_loop3A_217 : i32 to vector<16xi32>
        %parallel_loop3A_219 = arith.shrui %parallel_loop3A_216, %parallel_loop3A_218 : vector<16xi32>
        %parallel_loop3A_220 = arith.constant 127 : i32
        %parallel_loop3A_221 = vector.broadcast %parallel_loop3A_220 : i32 to vector<16xi32>
        %parallel_loop3A_222 = arith.andi %parallel_loop3A_216, %parallel_loop3A_221 : vector<16xi32>
        tpu.vector_store_idx %arg8[%parallel_loop3A_219, %parallel_loop3A_222], %broadcast_in_dim3A_33 masked %parallel_loop3A_208 {add = true} : memref<512x128xf32, #tpu.memory_space<vmem>>[vector<16xi32>, vector<16xi32>], vector<16xf32>, vector<16xi1>
        scf.yield %parallel_loop3A_205 : vector<16xf32>
      } {sc.loop_unroll_factor = 8 : i64, sc.parallel_access}
      %mul3A_125 = arith.constant 2 : i32
      %mul3A_126 = arith.muli %mul3A_125, %scan3A_75 : i32
      %add3A_127 = arith.constant 1 : i32
      %add3A_128 = arith.addi %mul3A_126, %add3A_127 : i32
      %add3A_129 = arith.constant 1 : i32
      %add3A_130 = arith.addi %add3A_128, %add3A_129 : i32
      %lt3A_131 = arith.constant 16 : i32
      %lt3A_132 = arith.cmpi slt, %add3A_130, %lt3A_131 : i32
      %convert_element_type3A_133 = arith.extui %lt3A_132 : i1 to i32
      %cond3A_134 = arith.constant 0 : i32
      %cond3A_135 = arith.cmpi ne, %convert_element_type3A_133, %cond3A_134 : i32
      scf.if %cond3A_135 {
        %add3A_176 = arith.constant 1 : i32
        %add3A_177 = arith.addi %add3A_128, %add3A_176 : i32
        %mul3A_178 = arith.constant 256 : i32
        %mul3A_179 = arith.muli %select_n3A_30, %mul3A_178 : i32
        %mul3A_180 = arith.constant 16 : i32
        %mul3A_181 = arith.muli %add3A_177, %mul3A_180 : i32
        %add3A_182 = arith.addi %mul3A_179, %mul3A_181 : i32
        %dma_start3A_183 = arith.constant 0 : i32
        %dma_start3A_184 = arith.constant 0 : i32
        %dma_start3A_185 = arith.constant 0 : i32
        %dma_start3A_186 = tpu.memref_slice %arg6[%dma_start3A_183, %dma_start3A_184, %dma_start3A_185] : memref<2x16x512xf32, #tpu.memory_space<vmem>> -> memref<1x16x512xf32, #tpu.memory_space<vmem>>
        %dma_start3A_187 = tpu.memref_squeeze %dma_start3A_186 : memref<1x16x512xf32, #tpu.memory_space<vmem>> -> memref<16x512xf32, #tpu.memory_space<vmem>>
        %dma_start3A_188 = arith.constant 0 : i32
        %dma_start3A_189 = tpu.memref_slice %arg2[%select_n3A, %add3A_182, %dma_start3A_188] : memref<16x512x512xf32, #tpu.memory_space<hbm>> -> memref<1x16x512xf32, #tpu.memory_space<hbm>>
        %dma_start3A_190 = tpu.memref_squeeze %dma_start3A_189 : memref<1x16x512xf32, #tpu.memory_space<hbm>> -> memref<16x512xf32, #tpu.memory_space<hbm>>
        %dma_start3A_191 = arith.constant 0 : i32
        %dma_start3A_192 = arith.constant 0 : i32
        %dma_start3A_193 = tpu.memref_slice %arg6[%dma_start3A_183, %dma_start3A_191, %dma_start3A_192] : memref<2x16x512xf32, #tpu.memory_space<vmem>> -> memref<1x16x512xf32, #tpu.memory_space<vmem>>
        %dma_start3A_194 = tpu.memref_squeeze %dma_start3A_193 : memref<1x16x512xf32, #tpu.memory_space<vmem>> -> memref<16x512xf32, #tpu.memory_space<vmem>>
        %dma_start3A_195 = arith.constant 0 : i32
        %dma_start3A_196 = tpu.memref_slice %arg2[%select_n3A, %add3A_182, %dma_start3A_195] : memref<16x512x512xf32, #tpu.memory_space<hbm>> -> memref<1x16x512xf32, #tpu.memory_space<hbm>>
        %dma_start3A_197 = tpu.memref_squeeze %dma_start3A_196 : memref<1x16x512xf32, #tpu.memory_space<hbm>> -> memref<16x512xf32, #tpu.memory_space<hbm>>
        tpu.enqueue_dma source(%dma_start3A_197 : memref<16x512xf32, #tpu.memory_space<hbm>>) target(%dma_start3A_194 : memref<16x512xf32, #tpu.memory_space<vmem>>) target_semaphore(%arg10 : memref<!tpu.dma_semaphore, #tpu.memory_space<semaphore_mem>>)
        %dma_start3A_198 = arith.constant 0 : i32
        %dma_start3A_199 = arith.constant 0 : i32
        %dma_start3A_200 = arith.constant 0 : i32
        %dma_start3A_201 = tpu.memref_slice %arg7[%dma_start3A_198, %dma_start3A_199, %dma_start3A_200] : memref<2x16x512xi32, #tpu.memory_space<vmem>> -> memref<1x16x512xi32, #tpu.memory_space<vmem>>
        %dma_start3A_202 = tpu.memref_squeeze %dma_start3A_201 : memref<1x16x512xi32, #tpu.memory_space<vmem>> -> memref<16x512xi32, #tpu.memory_space<vmem>>
        %dma_start3A_203 = arith.constant 0 : i32
        %dma_start3A_204 = tpu.memref_slice %arg3[%select_n3A, %add3A_182, %dma_start3A_203] : memref<16x512x512xi32, #tpu.memory_space<hbm>> -> memref<1x16x512xi32, #tpu.memory_space<hbm>>
        %dma_start3A_205 = tpu.memref_squeeze %dma_start3A_204 : memref<1x16x512xi32, #tpu.memory_space<hbm>> -> memref<16x512xi32, #tpu.memory_space<hbm>>
        %dma_start3A_206 = arith.constant 0 : i32
        %dma_start3A_207 = arith.constant 0 : i32
        %dma_start3A_208 = tpu.memref_slice %arg7[%dma_start3A_198, %dma_start3A_206, %dma_start3A_207] : memref<2x16x512xi32, #tpu.memory_space<vmem>> -> memref<1x16x512xi32, #tpu.memory_space<vmem>>
        %dma_start3A_209 = tpu.memref_squeeze %dma_start3A_208 : memref<1x16x512xi32, #tpu.memory_space<vmem>> -> memref<16x512xi32, #tpu.memory_space<vmem>>
        %dma_start3A_210 = arith.constant 0 : i32
        %dma_start3A_211 = tpu.memref_slice %arg3[%select_n3A, %add3A_182, %dma_start3A_210] : memref<16x512x512xi32, #tpu.memory_space<hbm>> -> memref<1x16x512xi32, #tpu.memory_space<hbm>>
        %dma_start3A_212 = tpu.memref_squeeze %dma_start3A_211 : memref<1x16x512xi32, #tpu.memory_space<hbm>> -> memref<16x512xi32, #tpu.memory_space<hbm>>
        tpu.enqueue_dma source(%dma_start3A_212 : memref<16x512xi32, #tpu.memory_space<hbm>>) target(%dma_start3A_209 : memref<16x512xi32, #tpu.memory_space<vmem>>) target_semaphore(%arg10 : memref<!tpu.dma_semaphore, #tpu.memory_space<semaphore_mem>>)
      } else {
      }
      %dma_wait3A_136 = arith.constant 0 : i32
      %dma_wait3A_137 = arith.constant 1 : i32
      %dma_wait3A_138 = arith.constant 0 : i32
      %dma_wait3A_139 = arith.constant 0 : i32
      %dma_wait3A_140 = tpu.memref_slice %arg6[%dma_wait3A_137, %dma_wait3A_138, %dma_wait3A_139] : memref<2x16x512xf32, #tpu.memory_space<vmem>> -> memref<1x16x512xf32, #tpu.memory_space<vmem>>
      %dma_wait3A_141 = tpu.memref_squeeze %dma_wait3A_140 : memref<1x16x512xf32, #tpu.memory_space<vmem>> -> memref<16x512xf32, #tpu.memory_space<vmem>>
      %dma_wait3A_142 = arith.constant 0 : i32
      %dma_wait3A_143 = arith.constant 0 : i32
      %dma_wait3A_144 = tpu.memref_slice %arg2[%dma_wait3A_136, %dma_wait3A_142, %dma_wait3A_143] : memref<16x512x512xf32, #tpu.memory_space<hbm>> -> memref<1x16x512xf32, #tpu.memory_space<hbm>>
      %dma_wait3A_145 = tpu.memref_squeeze %dma_wait3A_144 : memref<1x16x512xf32, #tpu.memory_space<hbm>> -> memref<16x512xf32, #tpu.memory_space<hbm>>
      %dma_wait3A_146 = arith.constant 0 : i32
      %dma_wait3A_147 = arith.constant 0 : i32
      %dma_wait3A_148 = tpu.memref_slice %arg6[%dma_wait3A_137, %dma_wait3A_146, %dma_wait3A_147] : memref<2x16x512xf32, #tpu.memory_space<vmem>> -> memref<1x16x512xf32, #tpu.memory_space<vmem>>
      %dma_wait3A_149 = tpu.memref_squeeze %dma_wait3A_148 : memref<1x16x512xf32, #tpu.memory_space<vmem>> -> memref<16x512xf32, #tpu.memory_space<vmem>>
      %dma_wait3A_150 = arith.constant 0 : i32
      %dma_wait3A_151 = arith.constant 0 : i32
      %dma_wait3A_152 = tpu.memref_slice %arg2[%dma_wait3A_136, %dma_wait3A_150, %dma_wait3A_151] : memref<16x512x512xf32, #tpu.memory_space<hbm>> -> memref<1x16x512xf32, #tpu.memory_space<hbm>>
      %dma_wait3A_153 = tpu.memref_squeeze %dma_wait3A_152 : memref<1x16x512xf32, #tpu.memory_space<hbm>> -> memref<16x512xf32, #tpu.memory_space<hbm>>
      tpu.wait_dma2 semaphore(%arg11 : memref<!tpu.dma_semaphore, #tpu.memory_space<semaphore_mem>>) src(%dma_wait3A_153 : memref<16x512xf32, #tpu.memory_space<hbm>>) dst(%dma_wait3A_149 : memref<16x512xf32, #tpu.memory_space<vmem>>)
      %dma_wait3A_154 = arith.constant 0 : i32
      %dma_wait3A_155 = arith.constant 1 : i32
      %dma_wait3A_156 = arith.constant 0 : i32
      %dma_wait3A_157 = arith.constant 0 : i32
      %dma_wait3A_158 = tpu.memref_slice %arg7[%dma_wait3A_155, %dma_wait3A_156, %dma_wait3A_157] : memref<2x16x512xi32, #tpu.memory_space<vmem>> -> memref<1x16x512xi32, #tpu.memory_space<vmem>>
      %dma_wait3A_159 = tpu.memref_squeeze %dma_wait3A_158 : memref<1x16x512xi32, #tpu.memory_space<vmem>> -> memref<16x512xi32, #tpu.memory_space<vmem>>
      %dma_wait3A_160 = arith.constant 0 : i32
      %dma_wait3A_161 = arith.constant 0 : i32
      %dma_wait3A_162 = tpu.memref_slice %arg3[%dma_wait3A_154, %dma_wait3A_160, %dma_wait3A_161] : memref<16x512x512xi32, #tpu.memory_space<hbm>> -> memref<1x16x512xi32, #tpu.memory_space<hbm>>
      %dma_wait3A_163 = tpu.memref_squeeze %dma_wait3A_162 : memref<1x16x512xi32, #tpu.memory_space<hbm>> -> memref<16x512xi32, #tpu.memory_space<hbm>>
      %dma_wait3A_164 = arith.constant 0 : i32
      %dma_wait3A_165 = arith.constant 0 : i32
      %dma_wait3A_166 = tpu.memref_slice %arg7[%dma_wait3A_155, %dma_wait3A_164, %dma_wait3A_165] : memref<2x16x512xi32, #tpu.memory_space<vmem>> -> memref<1x16x512xi32, #tpu.memory_space<vmem>>
      %dma_wait3A_167 = tpu.memref_squeeze %dma_wait3A_166 : memref<1x16x512xi32, #tpu.memory_space<vmem>> -> memref<16x512xi32, #tpu.memory_space<vmem>>
      %dma_wait3A_168 = arith.constant 0 : i32
      %dma_wait3A_169 = arith.constant 0 : i32
      %dma_wait3A_170 = tpu.memref_slice %arg3[%dma_wait3A_154, %dma_wait3A_168, %dma_wait3A_169] : memref<16x512x512xi32, #tpu.memory_space<hbm>> -> memref<1x16x512xi32, #tpu.memory_space<hbm>>
      %dma_wait3A_171 = tpu.memref_squeeze %dma_wait3A_170 : memref<1x16x512xi32, #tpu.memory_space<hbm>> -> memref<16x512xi32, #tpu.memory_space<hbm>>
      tpu.wait_dma2 semaphore(%arg11 : memref<!tpu.dma_semaphore, #tpu.memory_space<semaphore_mem>>) src(%dma_wait3A_171 : memref<16x512xi32, #tpu.memory_space<hbm>>) dst(%dma_wait3A_167 : memref<16x512xi32, #tpu.memory_space<vmem>>)
      %parallel_loop3A_172 = arith.constant 0 : i32
      %parallel_loop3A_173 = arith.constant 512 : i32
      %parallel_loop3A_174 = arith.constant 1 : i32
      %parallel_loop3A_175 = scf.for %parallel_loop3A_176 = %parallel_loop3A_172 to %parallel_loop3A_173 step %parallel_loop3A_174 iter_args(%parallel_loop3A_177 = %parallel_loop3A_124) -> (vector<16xf32>)  : i32 {
        %parallel_loop3A_178 = arith.constant 5 : i32
        %parallel_loop3A_179 = arith.shrui %parallel_loop3A_176, %parallel_loop3A_178 : i32
        %parallel_loop3A_180 = arith.constant 31 : i32
        %parallel_loop3A_181 = arith.andi %parallel_loop3A_176, %parallel_loop3A_180 : i32
        %parallel_loop3A_182 = arith.constant 16 : i32
        %parallel_loop3A_183 = arith.muli %parallel_loop3A_181, %parallel_loop3A_182 : i32
        %parallel_loop3A_184 = arith.constant 1 : i32
        %parallel_loop3A_185 = arith.index_cast %parallel_loop3A_184 : i32 to index
        %parallel_loop3A_186 = arith.index_cast %parallel_loop3A_179 : i32 to index
        %parallel_loop3A_187 = arith.index_cast %parallel_loop3A_183 : i32 to index
        %parallel_loop3A_188 = tpu.vector_load %arg6[%parallel_loop3A_185, %parallel_loop3A_186, %parallel_loop3A_187] {strides = array<i32>} : memref<2x16x512xf32, #tpu.memory_space<vmem>>, vector<16xf32>,
        %parallel_loop3A_189 = arith.constant 1 : i32
        %parallel_loop3A_190 = arith.index_cast %parallel_loop3A_189 : i32 to index
        %parallel_loop3A_191 = arith.index_cast %parallel_loop3A_179 : i32 to index
        %parallel_loop3A_192 = arith.index_cast %parallel_loop3A_183 : i32 to index
        %parallel_loop3A_193 = tpu.vector_load %arg7[%parallel_loop3A_190, %parallel_loop3A_191, %parallel_loop3A_192] {strides = array<i32>} : memref<2x16x512xi32, #tpu.memory_space<vmem>>, vector<16xi32>,
        %parallel_loop3A_194 = arith.sitofp %parallel_loop3A_193 : vector<16xi32> to vector<16xf32>
        %parallel_loop3A_195 = arith.constant 2.000000e+00 : f32
        %parallel_loop3A_196 = vector.broadcast %parallel_loop3A_195 : f32 to vector<16xf32>
        %parallel_loop3A_197 = arith.mulf %parallel_loop3A_196, %parallel_loop3A_194 : vector<16xf32>
        %parallel_loop3A_198 = arith.constant 1.000000e+00 : f32
        %parallel_loop3A_199 = vector.broadcast %parallel_loop3A_198 : f32 to vector<16xf32>
        %parallel_loop3A_200 = arith.subf %parallel_loop3A_197, %parallel_loop3A_199 : vector<16xf32>
        %parallel_loop3A_201 = arith.mulf %parallel_loop3A_188, %parallel_loop3A_200 : vector<16xf32>
        %parallel_loop3A_202 = arith.constant 1.000000e+00 : f32
        %parallel_loop3A_203 = vector.broadcast %parallel_loop3A_202 : f32 to vector<16xf32>
        %parallel_loop3A_204 = arith.subf %parallel_loop3A_203, %parallel_loop3A_201 : vector<16xf32>
        %parallel_loop3A_205 = arith.addf %parallel_loop3A_177, %parallel_loop3A_194 : vector<16xf32>
        %parallel_loop3A_206 = arith.constant 0.000000e+00 : f32
        %parallel_loop3A_207 = vector.broadcast %parallel_loop3A_206 : f32 to vector<16xf32>
        %parallel_loop3A_208 = arith.cmpf ogt, %parallel_loop3A_204, %parallel_loop3A_207 : vector<16xf32>
        %parallel_loop3A_209 = tpu.bitcast %parallel_loop3A_204 : vector<16xf32> -> vector<16xi32>
        %parallel_loop3A_210 = arith.constant 16 : i32
        %parallel_loop3A_211 = vector.broadcast %parallel_loop3A_210 : i32 to vector<16xi32>
        %parallel_loop3A_212 = arith.shrui %parallel_loop3A_209, %parallel_loop3A_211 : vector<16xi32>
        %parallel_loop3A_213 = arith.constant 32768 : i32
        %parallel_loop3A_214 = vector.broadcast %parallel_loop3A_213 : i32 to vector<16xi32>
        %parallel_loop3A_215 = arith.muli %parallel_loop3A_193, %parallel_loop3A_214 : vector<16xi32>
        %parallel_loop3A_216 = arith.addi %parallel_loop3A_212, %parallel_loop3A_215 : vector<16xi32>
        %parallel_loop3A_217 = arith.constant 7 : i32
        %parallel_loop3A_218 = vector.broadcast %parallel_loop3A_217 : i32 to vector<16xi32>
        %parallel_loop3A_219 = arith.shrui %parallel_loop3A_216, %parallel_loop3A_218 : vector<16xi32>
        %parallel_loop3A_220 = arith.constant 127 : i32
        %parallel_loop3A_221 = vector.broadcast %parallel_loop3A_220 : i32 to vector<16xi32>
        %parallel_loop3A_222 = arith.andi %parallel_loop3A_216, %parallel_loop3A_221 : vector<16xi32>
        tpu.vector_store_idx %arg8[%parallel_loop3A_219, %parallel_loop3A_222], %broadcast_in_dim3A_33 masked %parallel_loop3A_208 {add = true} : memref<512x128xf32, #tpu.memory_space<vmem>>[vector<16xi32>, vector<16xi32>], vector<16xf32>, vector<16xi1>
        scf.yield %parallel_loop3A_205 : vector<16xf32>
      } {sc.loop_unroll_factor = 8 : i64, sc.parallel_access}
      scf.yield %parallel_loop3A_175 : vector<16xf32>
    }
    %scan3A_73 = arith.constant 8 : i32
    %swap3A = arith.constant 0 : index
    %swap3A_74 = tpu.vector_load %arg9[%swap3A] {strides = array<i32>} : memref<16xf32, #tpu.memory_space<vmem>>, vector<16xf32>,
    tpu.vector_store %arg9[%swap3A], %scan3A_72 {strides = array<i32>} : memref<16xf32, #tpu.memory_space<vmem>>, vector<16xf32>,
    "tpu.region"() ({
      %run_scoped3A = tpu.sem_alloc : memref<!tpu.dma_semaphore, #tpu.memory_space<semaphore_mem>>
      %dma_start3A_75 = arith.constant 0 : i32
      %dma_start3A_76 = arith.constant 0 : i32
      %dma_start3A_77 = tpu.memref_slice %arg4[%add3A, %dma_start3A_75, %dma_start3A_76] : memref<32x512x128xf32, #tpu.memory_space<hbm>> -> memref<1x512x128xf32, #tpu.memory_space<hbm>>
      %dma_start3A_78 = tpu.memref_squeeze %dma_start3A_77 : memref<1x512x128xf32, #tpu.memory_space<hbm>> -> memref<512x128xf32, #tpu.memory_space<hbm>>
      %dma_start3A_79 = arith.constant 0 : i32
      %dma_start3A_80 = arith.constant 0 : i32
      %dma_start3A_81 = tpu.memref_slice %arg4[%add3A, %dma_start3A_79, %dma_start3A_80] : memref<32x512x128xf32, #tpu.memory_space<hbm>> -> memref<1x512x128xf32, #tpu.memory_space<hbm>>
      %dma_start3A_82 = tpu.memref_squeeze %dma_start3A_81 : memref<1x512x128xf32, #tpu.memory_space<hbm>> -> memref<512x128xf32, #tpu.memory_space<hbm>>
      tpu.enqueue_dma source(%arg8 : memref<512x128xf32, #tpu.memory_space<vmem>>) target(%dma_start3A_82 : memref<512x128xf32, #tpu.memory_space<hbm>>) target_semaphore(%run_scoped3A : memref<!tpu.dma_semaphore, #tpu.memory_space<semaphore_mem>>)
      %dma_wait3A = arith.constant 0 : i32
      %dma_wait3A_83 = arith.constant 0 : i32
      %dma_wait3A_84 = tpu.memref_slice %arg4[%add3A, %dma_wait3A, %dma_wait3A_83] : memref<32x512x128xf32, #tpu.memory_space<hbm>> -> memref<1x512x128xf32, #tpu.memory_space<hbm>>
      %dma_wait3A_85 = tpu.memref_squeeze %dma_wait3A_84 : memref<1x512x128xf32, #tpu.memory_space<hbm>> -> memref<512x128xf32, #tpu.memory_space<hbm>>
      %dma_wait3A_86 = arith.constant 0 : i32
      %dma_wait3A_87 = arith.constant 0 : i32
      %dma_wait3A_88 = tpu.memref_slice %arg4[%add3A, %dma_wait3A_86, %dma_wait3A_87] : memref<32x512x128xf32, #tpu.memory_space<hbm>> -> memref<1x512x128xf32, #tpu.memory_space<hbm>>
      %dma_wait3A_89 = tpu.memref_squeeze %dma_wait3A_88 : memref<1x512x128xf32, #tpu.memory_space<hbm>> -> memref<512x128xf32, #tpu.memory_space<hbm>>
      tpu.wait_dma2 semaphore(%run_scoped3A : memref<!tpu.dma_semaphore, #tpu.memory_space<semaphore_mem>>) src(%arg8 : memref<512x128xf32, #tpu.memory_space<vmem>>) dst(%dma_wait3A_89 : memref<512x128xf32, #tpu.memory_space<hbm>>)
      tpu.yield
    }) : () -> ()
    "tpu.region"() ({
      %run_scoped3A = tpu.sem_alloc : memref<!tpu.dma_semaphore, #tpu.memory_space<semaphore_mem>>
      %dma_start3A_75 = arith.constant 0 : i32
      %dma_start3A_76 = tpu.memref_slice %arg5[%add3A, %dma_start3A_75] : memref<32x16xf32, #tpu.memory_space<hbm>> -> memref<1x16xf32, #tpu.memory_space<hbm>>
      %dma_start3A_77 = tpu.memref_squeeze %dma_start3A_76 : memref<1x16xf32, #tpu.memory_space<hbm>> -> memref<16xf32, #tpu.memory_space<hbm>>
      %dma_start3A_78 = arith.constant 0 : i32
      %dma_start3A_79 = tpu.memref_slice %arg5[%add3A, %dma_start3A_78] : memref<32x16xf32, #tpu.memory_space<hbm>> -> memref<1x16xf32, #tpu.memory_space<hbm>>
      %dma_start3A_80 = tpu.memref_squeeze %dma_start3A_79 : memref<1x16xf32, #tpu.memory_space<hbm>> -> memref<16xf32, #tpu.memory_space<hbm>>
      tpu.enqueue_dma source(%arg9 : memref<16xf32, #tpu.memory_space<vmem>>) target(%dma_start3A_80 : memref<16xf32, #tpu.memory_space<hbm>>) target_semaphore(%run_scoped3A : memref<!tpu.dma_semaphore, #tpu.memory_space<semaphore_mem>>)
      %dma_wait3A = arith.constant 0 : i32
      %dma_wait3A_81 = tpu.memref_slice %arg5[%add3A, %dma_wait3A] : memref<32x16xf32, #tpu.memory_space<hbm>> -> memref<1x16xf32, #tpu.memory_space<hbm>>
      %dma_wait3A_82 = tpu.memref_squeeze %dma_wait3A_81 : memref<1x16xf32, #tpu.memory_space<hbm>> -> memref<16xf32, #tpu.memory_space<hbm>>
      %dma_wait3A_83 = arith.constant 0 : i32
      %dma_wait3A_84 = tpu.memref_slice %arg5[%add3A, %dma_wait3A_83] : memref<32x16xf32, #tpu.memory_space<hbm>> -> memref<1x16xf32, #tpu.memory_space<hbm>>
      %dma_wait3A_85 = tpu.memref_squeeze %dma_wait3A_84 : memref<1x16xf32, #tpu.memory_space<hbm>> -> memref<16xf32, #tpu.memory_space<hbm>>
      tpu.wait_dma2 semaphore(%run_scoped3A : memref<!tpu.dma_semaphore, #tpu.memory_space<semaphore_mem>>) src(%arg9 : memref<16xf32, #tpu.memory_space<vmem>>) dst(%dma_wait3A_85 : memref<16xf32, #tpu.memory_space<hbm>>)
      tpu.yield
    }) : () -> ()
    return
  }
}

module attributes {stable_mosaic.version = 14 : i64} {
  func.func @_tc_reduce_kernel(%arg0: memref<32x512x128xf32, #tpu.memory_space<vmem>>, %arg1: memref<32x16xf32, #tpu.memory_space<vmem>>, %arg2: memref<1x1xf32, #tpu.memory_space<smem>>) attributes {dimension_semantics = [], scalar_prefetch = 0 : i64, scratch_operands = 0 : i64, tpu.core_type = #tpu.core_type<tc>} {
    %get3A = arith.constant 0 : index
    %get3A_0 = arith.constant 0 : index
    %get3A_1 = arith.constant 0 : index
    %get3A_2 = vector.load %arg0[%get3A, %get3A_0, %get3A_1] : memref<32x512x128xf32, #tpu.memory_space<vmem>>, vector<32x512x128xf32>
    %reduce_sum3A = arith.constant dense<0.000000e+00> : vector<512x128xf32>
    %reduce_sum3A_3 = vector.multi_reduction <add>, %get3A_2, %reduce_sum3A [0] : vector<32x512x128xf32> to vector<512x128xf32>
    %slice3A = vector.extract_strided_slice %reduce_sum3A_3 {offsets = [0, 0], sizes = [256, 128], strides = [1, 1]} : vector<512x128xf32> to vector<256x128xf32>
    %slice3A_4 = vector.extract_strided_slice %reduce_sum3A_3 {offsets = [256, 0], sizes = [256, 128], strides = [1, 1]} : vector<512x128xf32> to vector<256x128xf32>
    %iota3A = tpu.iota {dimensions = array<i32: 0>} : vector<128x128xi32>
    %iota3A_5 = tpu.iota {dimensions = array<i32: 1>} : vector<128x128xi32>
    %le3A = arith.cmpi sle, %iota3A, %iota3A_5 : vector<128x128xi32>
    %jit3A = arith.constant 1.000000e+00 : f32
    %jit3A_6 = arith.constant 0.000000e+00 : f32
    %broadcast_in_dim3A = vector.broadcast %jit3A : f32 to vector<128x128xf32>
    %broadcast_in_dim3A_7 = vector.broadcast %jit3A_6 : f32 to vector<128x128xf32>
    %select_n3A = arith.select %le3A, %broadcast_in_dim3A, %broadcast_in_dim3A_7 : vector<128x128xi1>, vector<128x128xf32>
    %dot_general3A = arith.constant dense<0.000000e+00> : vector<256x128xf32>
    %dot_general3A_8 = tpu.matmul %slice3A_4, %select_n3A, %dot_general3A {dimension_numbers = #tpu.dot_dimension_numbers<[1], [0], [0], [1], [0, 0, 1, 1], [], []>, precision = #tpu.contract_precision<fp32>, transpose_lhs_hint = false} : vector<256x128xf32>, vector<128x128xf32>, vector<256x128xf32> -> vector<256x128xf32>
    %slice3A_9 = vector.extract_strided_slice %dot_general3A_8 {offsets = [0, 127], sizes = [256, 1], strides = [1, 1]} : vector<256x128xf32> to vector<256x1xf32>
    %iota3A_10 = tpu.iota {dimensions = array<i32: 0>} : vector<256x256xi32>
    %iota3A_11 = tpu.iota {dimensions = array<i32: 1>} : vector<256x256xi32>
    %lt3A = arith.cmpi slt, %iota3A_11, %iota3A_10 : vector<256x256xi32>
    %jit3A_12 = arith.constant 1.000000e+00 : f32
    %jit3A_13 = arith.constant 0.000000e+00 : f32
    %broadcast_in_dim3A_14 = vector.broadcast %jit3A_12 : f32 to vector<256x256xf32>
    %broadcast_in_dim3A_15 = vector.broadcast %jit3A_13 : f32 to vector<256x256xf32>
    %select_n3A_16 = arith.select %lt3A, %broadcast_in_dim3A_14, %broadcast_in_dim3A_15 : vector<256x256xi1>, vector<256x256xf32>
    %dot_general3A_17 = arith.constant dense<0.000000e+00> : vector<256x1xf32>
    %dot_general3A_18 = tpu.matmul %select_n3A_16, %slice3A_9, %dot_general3A_17 {dimension_numbers = #tpu.dot_dimension_numbers<[1], [0], [0], [1], [0, 0, 1, 1], [], []>, precision = #tpu.contract_precision<fp32>, transpose_lhs_hint = false} : vector<256x256xf32>, vector<256x1xf32>, vector<256x1xf32> -> vector<256x1xf32>
    %add3A = vector.broadcast %dot_general3A_18 : vector<256x1xf32> to vector<256x128xf32>
    %add3A_19 = arith.addf %dot_general3A_8, %add3A : vector<256x128xf32>
    %reduce_sum3A_20 = vector.shape_cast %slice3A_4 : vector<256x128xf32> to vector<1x256x128xf32>
    %reduce_sum3A_21 = arith.constant dense<0.000000e+00> : vector<1xf32>
    %reduce_sum3A_22 = vector.multi_reduction <add>, %reduce_sum3A_20, %reduce_sum3A_21 [1, 2] : vector<1x256x128xf32> to vector<1xf32>
    %reduce_sum3A_23 = vector.shape_cast %reduce_sum3A_22 : vector<1xf32> to vector<1x1x1xf32>
    %reduce_sum3A_24 = vector.extract %reduce_sum3A_23[0, 0, 0] : f32 from vector<1x1x1xf32>
    %sub3A = vector.broadcast %reduce_sum3A_24 : f32 to vector<256x128xf32>
    %sub3A_25 = arith.subf %sub3A, %add3A_19 : vector<256x128xf32>
    %add3A_26 = arith.addf %sub3A_25, %slice3A_4 : vector<256x128xf32>
    %iota3A_27 = tpu.iota {dimensions = array<i32: 0>} : vector<128x128xi32>
    %iota3A_28 = tpu.iota {dimensions = array<i32: 1>} : vector<128x128xi32>
    %le3A_29 = arith.cmpi sle, %iota3A_27, %iota3A_28 : vector<128x128xi32>
    %jit3A_30 = arith.constant 1.000000e+00 : f32
    %jit3A_31 = arith.constant 0.000000e+00 : f32
    %broadcast_in_dim3A_32 = vector.broadcast %jit3A_30 : f32 to vector<128x128xf32>
    %broadcast_in_dim3A_33 = vector.broadcast %jit3A_31 : f32 to vector<128x128xf32>
    %select_n3A_34 = arith.select %le3A_29, %broadcast_in_dim3A_32, %broadcast_in_dim3A_33 : vector<128x128xi1>, vector<128x128xf32>
    %dot_general3A_35 = arith.constant dense<0.000000e+00> : vector<256x128xf32>
    %dot_general3A_36 = tpu.matmul %slice3A, %select_n3A_34, %dot_general3A_35 {dimension_numbers = #tpu.dot_dimension_numbers<[1], [0], [0], [1], [0, 0, 1, 1], [], []>, precision = #tpu.contract_precision<fp32>, transpose_lhs_hint = false} : vector<256x128xf32>, vector<128x128xf32>, vector<256x128xf32> -> vector<256x128xf32>
    %slice3A_37 = vector.extract_strided_slice %dot_general3A_36 {offsets = [0, 127], sizes = [256, 1], strides = [1, 1]} : vector<256x128xf32> to vector<256x1xf32>
    %iota3A_38 = tpu.iota {dimensions = array<i32: 0>} : vector<256x256xi32>
    %iota3A_39 = tpu.iota {dimensions = array<i32: 1>} : vector<256x256xi32>
    %lt3A_40 = arith.cmpi slt, %iota3A_39, %iota3A_38 : vector<256x256xi32>
    %jit3A_41 = arith.constant 1.000000e+00 : f32
    %jit3A_42 = arith.constant 0.000000e+00 : f32
    %broadcast_in_dim3A_43 = vector.broadcast %jit3A_41 : f32 to vector<256x256xf32>
    %broadcast_in_dim3A_44 = vector.broadcast %jit3A_42 : f32 to vector<256x256xf32>
    %select_n3A_45 = arith.select %lt3A_40, %broadcast_in_dim3A_43, %broadcast_in_dim3A_44 : vector<256x256xi1>, vector<256x256xf32>
    %dot_general3A_46 = arith.constant dense<0.000000e+00> : vector<256x1xf32>
    %dot_general3A_47 = tpu.matmul %select_n3A_45, %slice3A_37, %dot_general3A_46 {dimension_numbers = #tpu.dot_dimension_numbers<[1], [0], [0], [1], [0, 0, 1, 1], [], []>, precision = #tpu.contract_precision<fp32>, transpose_lhs_hint = false} : vector<256x256xf32>, vector<256x1xf32>, vector<256x1xf32> -> vector<256x1xf32>
    %add3A_48 = vector.broadcast %dot_general3A_47 : vector<256x1xf32> to vector<256x128xf32>
    %add3A_49 = arith.addf %dot_general3A_36, %add3A_48 : vector<256x128xf32>
    %reduce_sum3A_50 = vector.shape_cast %slice3A : vector<256x128xf32> to vector<1x256x128xf32>
    %reduce_sum3A_51 = arith.constant dense<0.000000e+00> : vector<1xf32>
    %reduce_sum3A_52 = vector.multi_reduction <add>, %reduce_sum3A_50, %reduce_sum3A_51 [1, 2] : vector<1x256x128xf32> to vector<1xf32>
    %reduce_sum3A_53 = vector.shape_cast %reduce_sum3A_52 : vector<1xf32> to vector<1x1x1xf32>
    %reduce_sum3A_54 = vector.extract %reduce_sum3A_53[0, 0, 0] : f32 from vector<1x1x1xf32>
    %sub3A_55 = vector.broadcast %reduce_sum3A_54 : f32 to vector<256x128xf32>
    %sub3A_56 = arith.subf %sub3A_55, %add3A_49 : vector<256x128xf32>
    %add3A_57 = arith.addf %sub3A_56, %slice3A : vector<256x128xf32>
    %get3A_58 = arith.constant 0 : index
    %get3A_59 = arith.constant 0 : index
    %get3A_60 = vector.load %arg1[%get3A_58, %get3A_59] : memref<32x16xf32, #tpu.memory_space<vmem>>, vector<32x16xf32>
    %reduce_sum3A_61 = vector.shape_cast %get3A_60 : vector<32x16xf32> to vector<1x32x16xf32>
    %reduce_sum3A_62 = arith.constant dense<0.000000e+00> : vector<1xf32>
    %reduce_sum3A_63 = vector.multi_reduction <add>, %reduce_sum3A_61, %reduce_sum3A_62 [1, 2] : vector<1x32x16xf32> to vector<1xf32>
    %reduce_sum3A_64 = vector.shape_cast %reduce_sum3A_63 : vector<1xf32> to vector<1x1x1xf32>
    %reduce_sum3A_65 = vector.extract %reduce_sum3A_64[0, 0, 0] : f32 from vector<1x1x1xf32>
    %iota3A_66 = tpu.iota {dimensions = array<i32: 0>} : vector<256x128xi32>
    %mul3A = arith.constant 128 : i32
    %mul3A_67 = vector.broadcast %mul3A : i32 to vector<256x128xi32>
    %mul3A_68 = arith.muli %iota3A_66, %mul3A_67 : vector<256x128xi32>
    %iota3A_69 = tpu.iota {dimensions = array<i32: 1>} : vector<256x128xi32>
    %add3A_70 = arith.addi %mul3A_68, %iota3A_69 : vector<256x128xi32>
    %add3A_71 = arith.constant 1 : i32
    %add3A_72 = vector.broadcast %add3A_71 : i32 to vector<256x128xi32>
    %add3A_73 = arith.addi %add3A_70, %add3A_72 : vector<256x128xi32>
    %min3A = arith.constant 32767 : i32
    %min3A_74 = vector.broadcast %min3A : i32 to vector<256x128xi32>
    %min3A_75 = arith.minsi %add3A_73, %min3A_74 : vector<256x128xi32>
    %shift_left3A = arith.constant 16 : i32
    %shift_left3A_76 = vector.broadcast %shift_left3A : i32 to vector<256x128xi32>
    %shift_left3A_77 = arith.shli %min3A_75, %shift_left3A_76 : vector<256x128xi32>
    %bitcast_convert_type3A = tpu.bitcast %shift_left3A_77 : vector<256x128xi32> -> vector<256x128xf32>
    %sub3A_78 = arith.constant 1 : i32
    %sub3A_79 = vector.broadcast %sub3A_78 : i32 to vector<256x128xi32>
    %sub3A_80 = arith.subi %add3A_70, %sub3A_79 : vector<256x128xi32>
    %max3A = arith.constant 0 : i32
    %max3A_81 = vector.broadcast %max3A : i32 to vector<256x128xi32>
    %max3A_82 = arith.maxsi %sub3A_80, %max3A_81 : vector<256x128xi32>
    %shift_left3A_83 = arith.constant 16 : i32
    %shift_left3A_84 = vector.broadcast %shift_left3A_83 : i32 to vector<256x128xi32>
    %shift_left3A_85 = arith.shli %max3A_82, %shift_left3A_84 : vector<256x128xi32>
    %bitcast_convert_type3A_86 = tpu.bitcast %shift_left3A_85 : vector<256x128xi32> -> vector<256x128xf32>
    %ge3A = arith.constant 32639 : i32
    %ge3A_87 = vector.broadcast %ge3A : i32 to vector<256x128xi32>
    %ge3A_88 = arith.cmpi sge, %add3A_70, %ge3A_87 : vector<256x128xi32>
    %sub3A_89 = arith.subf %bitcast_convert_type3A, %bitcast_convert_type3A_86 : vector<256x128xf32>
    %mul3A_90 = arith.constant 5.000000e-01 : f32
    %mul3A_91 = vector.broadcast %mul3A_90 : f32 to vector<256x128xf32>
    %mul3A_92 = arith.mulf %sub3A_89, %mul3A_91 : vector<256x128xf32>
    %jit3A_93 = arith.constant 0.000000e+00 : f32
    %broadcast_in_dim3A_94 = vector.broadcast %jit3A_93 : f32 to vector<256x128xf32>
    %select_n3A_95 = arith.select %ge3A_88, %broadcast_in_dim3A_94, %mul3A_92 : vector<256x128xi1>, vector<256x128xf32>
    %add3A_96 = arith.addf %add3A_26, %add3A_57 : vector<256x128xf32>
    %add3A_97 = vector.broadcast %reduce_sum3A_65 : f32 to vector<256x128xf32>
    %add3A_98 = arith.addf %add3A_97, %add3A_57 : vector<256x128xf32>
    %max3A_99 = arith.constant 1.000000e+00 : f32
    %max3A_100 = vector.broadcast %max3A_99 : f32 to vector<256x128xf32>
    %max3A_101 = arith.maximumf %add3A_98, %max3A_100 : vector<256x128xf32>
    %div3A = arith.divf %add3A_96, %max3A_101 : vector<256x128xf32>
    %mul3A_102 = arith.mulf %div3A, %select_n3A_95 : vector<256x128xf32>
    %reduce_sum3A_103 = vector.shape_cast %mul3A_102 : vector<256x128xf32> to vector<1x256x128xf32>
    %reduce_sum3A_104 = arith.constant dense<0.000000e+00> : vector<1xf32>
    %reduce_sum3A_105 = vector.multi_reduction <add>, %reduce_sum3A_103, %reduce_sum3A_104 [1, 2] : vector<1x256x128xf32> to vector<1xf32>
    %reduce_sum3A_106 = vector.shape_cast %reduce_sum3A_105 : vector<1xf32> to vector<1x1x1xf32>
    %reduce_sum3A_107 = vector.extract %reduce_sum3A_106[0, 0, 0] : f32 from vector<1x1x1xf32>
    %swap3A = arith.constant 0 : index
    %swap3A_108 = arith.constant 0 : index
    %swap3A_109 = memref.load %arg2[%swap3A, %swap3A_108] : memref<1x1xf32, #tpu.memory_space<smem>>
    memref.store %reduce_sum3A_107, %arg2[%swap3A, %swap3A_108] : memref<1x1xf32, #tpu.memory_space<smem>>
    return
  }
}

</mosaic_0001>

<sc_bundles>
// kernel: kernel.4.cloned.1.call-start
scs
__scs_entry_jumppad:
0x0: {  	(pc) =	sbr.rel $0x88, $3  }
0x1: {  	(tag) =	ssettag $0x0;
	lr =	simm.s32 $0x1  }
0x2: {  	[smem:$0x3F9F] =	sst lr;
	_ =	strace $0xD0000000  }
0x3: {  	_ = 	snop  }
0x4: {  	_ = 	snop  }
0x5: {  	_ = 	snop  }
0x6: {  	_ = 	snop  }
0x7: {  	_ = 	snop  }
__scs_overlays_trampoline_lowered:
0x8: {  	[smem:$0x3FAE] =	sst s0  }
0x9: {  	[smem:$0x3FAF] =	sst s1  }
0xa: {  	[smem:$0x3FB0] =	sst s2  }
0xb: {  	[smem:$0x3FB1] =	sst s3  }
0xc: {  	[smem:$0x3FB2] =	sst s4  }
0xd: {  	[smem:$0x3FB3] =	sst s5  }
0xe: {  	[smem:$0x3FB4] =	sst s6  }
0xf: {  	[smem:$0x3FB5] =	sst s7  }
0x10: {  	[smem:$0x3FB6] =	sst s8  }
0x11: {  	[smem:$0x3FB7] =	sst s9;
	s0 =	simm.s32 @!p0 $0x0  }
0x12: {  	s1 =	sld [smem:$0x3F9D];
	s0 =	simm.s32 @p0 $0x1  }
0x13: {  	[smem:$0x3FB8] =	sst s0;
	s0 =	simm.s32 @!p1 $0x0  }
0x14: {  	s2 =	sld [smem:$0x3F9C];
	s0 =	simm.s32 @p1 $0x1  }
0x15: {  	[smem:$0x3FB9] =	sst s0;
	s0 =	simm.s32 @!p2 $0x0  }
0x16: {  	s3 =	sld [smem:$0x3FDB];
	s0 =	simm.s32 @p2 $0x1  }
0x17: {  	s4 =	simm.s32 $0x1BF5;
	[smem:$0x3FBB] =	sst s0  }
0x18: {  	s0 =	sld [smem:$0x3F9E];
	_ =	swait.ge [sflag:s4], $0x0  }
0x19: {  	s7 =	sld [smem:$0x3F9F]  }
0x1a: {  	s8 =	sadd.s32 $0xFFFFE003, lr  }
0x1b: {  	s9 =	sadd.s32 $0xFFFFFEF7, lr;
	s5 =	simm.s32 $0xFFFFFFFF;
	p2 =	slt.u32 s8, $0xFFFFF086  }
0x1c: {  	p1 =	slt.u32 s9, $0xF7A;
	s5 =	simm.s32 @!p2 $0x0  }
0x1d: {  	s5 =	simm.s32 @p1 $0x1;
	p0 =	seq.s32 s7, s2  }
0x1e: {  	s7 =	smul.u32 @!p0 $0xF7A, s2;
	p2 =	seq.s32 @!p0 s5, $0x0  }
0x1f: {  	s9 =	smul.u32 $0xF7A, s1;
	s8 =	simm.s32 @!p0 $0x1BF5;
	p2 =	por !p2, p0  }
0x20: {  	[sflag:s8] =	ssyncset.s32 @!p0 $0xFFFFF086;
	s6 =	sadd.s32 @!p0 s3, s7;
	s7 =	simm.s32 @!p0 $0x108  }
0x21: {  	s3 =	sadd.s32 s3, s9;
	s6 =	sadd.s32 @!p0 $0x88, s6;
	s7 =	simm.s32 @p2 $0x1082  }
0x22: {  	[simem:s7], [sflag:s8] =	dma.local @!p0 [hbm:s6], $0xF7A  }
0x23: {  	s9 =	sor.u32 $0xD0000000, s2;
	s6 =	simm.s32 $0x108;
	_ =	swait.ge @!p0 [sflag:s8], $0x0  }
0x24: {  	s3 =	sadd.s32 $0x88, s3;
	s6 =	simm.s32 @!p1 $0x1082;
	[sflag:s4] =	ssyncset.s32 $0xFFFFF086  }
0x25: {  	[simem:s6], [sflag:s4] =	dma.local [hbm:s3], $0xF7A  }
0x26: {  	[smem:$0x3F9F] =	sst s1;
	(tag) =	ssettag s2;
	_ =	strace s9  }
0x27: {  	s1 =	sld [smem:$0x3FAF]  }
0x28: {  	s2 =	sld [smem:$0x3FB0]  }
0x29: {  	s4 =	sld [smem:$0x3FB2]  }
0x2a: {  	p0 =	seq.s32 s5, $0x0;
	s5 =	sld [smem:$0x3FB3]  }
0x2b: {  	s6 =	sld [smem:$0x3FB4]  }
0x2c: {  	s7 =	sld [smem:$0x3FB5]  }
0x2d: {  	s3 =	simm.s32 $0x108;
	s8 =	sld [smem:$0x3FB6]  }
0x2e: {  	s3 =	simm.s32 @!p0 $0x1082;
	s9 =	sld [smem:$0x3FB7]  }
0x2f: {  	lr =	sadd.s32 s0, s3;
	s0 =	sld [smem:$0x3FAE]  }
0x30: {  	s3 =	sld [smem:$0x3FB1]  }
0x31: {  	[smem:$0x3FBA] =	sst s10  }
0x32: {  	s10 =	sld [smem:$0x3FB8];
	_ =	sdelay $0x3  }
0x33: {  	p0 =	seq.s32 s10, $0x1;
	s10 =	sld [smem:$0x3FBA];
	_ =	sdelay $0x3  }
0x34: {  	[smem:$0x3FBA] =	sst s10  }
0x35: {  	s10 =	sld [smem:$0x3FB9];
	_ =	sdelay $0x3  }
0x36: {  	p1 =	seq.s32 s10, $0x1;
	s10 =	sld [smem:$0x3FBA];
	_ =	sdelay $0x3  }
0x37: {  	[smem:$0x3FBA] =	sst s10  }
0x38: {  	s10 =	sld [smem:$0x3FBB]  }
0x39: {  	_ = 	snop;
	(pc) =	sbr.ind lr, $3  }
0x3a: {  	_ = 	snop  }
0x3b: {  	_ = 	snop  }
0x3c: {  	p2 =	seq.s32 s10, $0x1;
	s10 =	sld [smem:$0x3FBA]  }
0x3d: {  	_ =	shalt  }
0x3e: {  	_ =	shalt  }
0x3f: {  	_ =	shalt  }
0x40: {  	_ =	shalt  }
0x41: {  	_ =	shalt  }
0x42: {  	_ =	shalt  }
0x43: {  	_ =	shalt  }
0x44: {  	_ =	shalt  }
0x45: {  	_ =	shalt  }
0x46: {  	_ =	shalt  }
0x47: {  	_ =	shalt  }
0x48: {  	_ =	shalt  }
0x49: {  	_ =	shalt  }
0x4a: {  	_ =	shalt  }
0x4b: {  	_ =	shalt  }
0x4c: {  	_ =	shalt  }
0x4d: {  	_ =	shalt  }
0x4e: {  	_ =	shalt  }
0x4f: {  	_ =	shalt  }
0x50: {  	_ =	shalt  }
0x51: {  	_ =	shalt  }
0x52: {  	_ =	shalt  }
0x53: {  	_ =	shalt  }
0x54: {  	_ =	shalt  }
0x55: {  	_ =	shalt  }
0x56: {  	_ =	shalt  }
0x57: {  	_ =	shalt  }
0x58: {  	_ =	shalt  }
0x59: {  	_ =	shalt  }
0x5a: {  	_ =	shalt  }
0x5b: {  	_ =	shalt  }
0x5c: {  	_ =	shalt  }
0x5d: {  	_ =	shalt  }
0x5e: {  	_ =	shalt  }
0x5f: {  	_ =	shalt  }
0x60: {  	_ =	shalt  }
0x61: {  	_ =	shalt  }
0x62: {  	_ =	shalt  }
0x63: {  	_ =	shalt  }
0x64: {  	_ =	shalt  }
0x65: {  	_ =	shalt  }
0x66: {  	_ =	shalt  }
0x67: {  	_ =	shalt  }
0x68: {  	_ =	shalt  }
0x69: {  	_ =	shalt  }
0x6a: {  	_ =	shalt  }
0x6b: {  	_ =	shalt  }
0x6c: {  	_ =	shalt  }
0x6d: {  	_ =	shalt  }
0x6e: {  	_ =	shalt  }
0x6f: {  	_ =	shalt  }
0x70: {  	_ =	shalt  }
0x71: {  	_ =	shalt  }
0x72: {  	_ =	shalt  }
0x73: {  	_ =	shalt  }
0x74: {  	_ =	shalt  }
0x75: {  	_ =	shalt  }
0x76: {  	_ =	shalt  }
0x77: {  	_ =	shalt  }
0x78: {  	_ =	shalt  }
0x79: {  	_ =	shalt  }
0x7a: {  	_ =	shalt  }
0x7b: {  	_ =	shalt  }
0x7c: {  	_ =	shalt  }
0x7d: {  	_ =	shalt  }
0x7e: {  	_ =	shalt  }
0x7f: {  	_ =	shalt  }
0x80: {  	_ =	shalt  }
0x81: {  	_ =	shalt  }
0x82: {  	_ =	shalt  }
0x83: {  	_ =	shalt  }
0x84: {  	_ =	shalt  }
0x85: {  	_ =	shalt  }
0x86: {  	_ =	shalt  }
0x87: {  	_ =	shalt  }
.Lfunc_end0:
.L_simem_size_0:
called_computation_lowered:
.L_overlay_start_0:
0x88: {  	s2 =	sld [smem:$0x3FD9]  }
0x89: {  	s3 =	sld [smem:$0x3FFE];
	_ =	sdelay $0x1  }
0x8a: {  	s1 =	srdreg.scid  }
0x8b: {  	s0 =	sand.u32 $0x1, s1  }
0x8c: {  	s17 =	sshll.u32 s0, $0xA;
	s2 =	sadd.s32 s3, s2  }
0x8d: {  	s2 =	sadd.s32 s2, s17  }
0x8e: {  	[smem:$0x3FC6] =	sst s2  }
0x8f: {  	_ = 	snop  }
0x90: {  	s2 =	sld [smem:$0x3FC9]  }
0x91: {  	s18 =	sld [smem:$0x3FC8];
	(tm) =	ssettm $0x1  }
0x92: {  	s4 =	sld [smem:$0x3FFB];
	_ =	sdelay $0x3  }
0x93: {  	_ =	strace s4  }
0x94: {  	s4 =	sld [smem:$0x3FFC];
	_ =	sdelay $0x3  }
0x95: {  	_ =	strace s4  }
0x96: {  	s4 =	sld [smem:$0x3FFD];
	_ =	sdelay $0x3  }
0x97: {  	_ =	strace s4  }
0x98: {  	_ =	strace $0x8FFFFFFF  }
0x99: {  	s19 =	sld [smem:$0x3FDB];
	_ =	sdelay $0x1  }
0x9a: {  	s5 =	simm.s32 $_scs_section_size  }
0x9b: {  	s6 =	simm.s32 $_size__tile_overlayer_lowered;
	s7 =	simm.s32 $_tile_overlayer_lowered  }
0x9c: {  	s22 =	simm.s32 $0x1BFF;
	s21 =	sshll.u32 s7, $0x1;
	s4 =	sadd.s32 s5, s19  }
0x9d: {  	s8 =	simm.s32 $0x0;
	s20 =	sshll.u32 s6, $0x1;
	s6 =	sadd.s32 s21, s4  }
0x9e: {  	[timem:s8], [sflag:s22] =	dma.local [hbm:s6], s20  }
0x9f: {  	_ =	swait.ge [sflag:s22], s20  }
0xa0: {  	s5 =	ssub.s32 $0x0, s20;
	[sflag:s22] =	ssyncset.done $0x0  }
0xa1: {  	[sflag:s22] =	ssyncadd.s32 s5;
	_ =	sdelay $0x1  }
0xa2: {  	s23 =	simm.s32 $0x1B8B  }
0xa3: {  	_ =	swait.ge [sflag:s23], $0x1  }
0xa4: {  	[sflag:s23] =	ssyncset.done $0x0  }
0xa5: {  	s25 =	simm.s32 $0x1B8E;
	s24 =	sld [smem:$0x3FFE];
	[sflag:s23] =	ssyncadd.s32 $0xFFFFFFFF  }
0xa6: {  	s26 =	simm.s32 $execute0_lowered;
	[smem:$0x3FD2] =	sst s25  }
0xa7: {  	s6 =	sshll.u32 s26, $0x1;
	_ =	strace $0x80000046;
	[dreg:$0x1] =	wrdreg $0xFFFFFFFF  }
0xa8: {  	s28 =	simm.s32 $_size_execute0_lowered;
	s4 =	sadd.s32 s4, s6;
	[dreg:$0x0] =	wrdreg $0x0  }
0xa9: {  	s6 =	sshll.u32 s28, $0x1;
	[dreg:$0x2] =	wrdreg s4  }
0xaa: {  	[dreg:$0x3] =	wrdreg s6  }
0xab: {  	[dreg:$0x4] =	wrdreg $0xC0  }
0xac: {  	_ =	task [dreg:s8], $0x5FFFF  }
0xad: {  	[dreg:$0x1] =	wrdreg $0xFFFFFFFF  }
0xae: {  	[dreg:$0x0] =	wrdreg $0x60  }
0xaf: {  	[dreg:$0x2] =	wrdreg s2  }
0xb0: {  	[dreg:$0x3] =	wrdreg s18  }
0xb1: {  	[dreg:$0x4] =	wrdreg s24  }
0xb2: {  	[dreg:$0x5] =	wrdreg $0x9  }
0xb3: {  	_ =	task.clear_ibuf [dreg:s8], $0x6FFFF;
	_ =	strace $0x90000046  }
0xb4: {  	s29 =	simm.s32 $0x9;
	_ =	strace $0x80000048  }
0xb5: {  	_ =	swait.ge [sflag:s29], $0x1  }
0xb6: {  	[sflag:s29] =	ssyncadd.s32 $0xFFFFFFFF  }
0xb7: {  	_ =	strace $0x90000048  }
0xb8: {  	_ =	sfence  }
0xb9: {  	s30 =	sld [smem:$0x0];
	_ =	sdelay $0x2  }
0xba: {  	s31 =	sshll.u32 s1, $0xD;
	s1 =	sshrl.u32 s1, $0x2  }
0xbb: {  	s3 =	sand.u32 $0x4000, s31;
	s1 =	sadd.s32 s1, s30  }
0xbc: {  	s0 =	sor.u32 s3, s0;
	s1 =	sshll.u32 s1, $0x11  }
0xbd: {  	s0 =	sor.u32 s1, s0  }
0xbe: {  	s0 =	sadd.s32 $0x8F2B, s0  }
0xbf: {  	[sflag:s0] =	ssyncadd.remote.s32 $0x1  }
0xc0: {  	_ =	sfence.sel $0xFFFF  }
0xc1: {  	[dreg:$0x0] =	wrdreg $0xFFFFFFFF;
	(pc) =	sbr.abs _section_cstart, $3  }
0xc2: {  	[dreg:$0x1] =	wrdreg $0xFFFFFFFF  }
0xc3: {  	_ =	task.clear_ibuf [dreg:s8], $0x2FFFF;
	_ =	strace $0x9FFFFFFF  }
0xc4: {  	(tm) =	ssettm $0x7FFFFFFF  }
0xc5: {  	_ =	shalt  }
tec
execute0_lowered:
.L_overlay_start_1:
0x0: {  	(tag) =	ssettag $0x1  }
0x1: {  	s1 =	rddreg [dreg:$0x0]  }
0x2: {  	s2 =	srdreg.scid;
	s3 =	rddreg [dreg:$0x1]  }
0x3: {  	s0 =	stileid.u32;
	s7 =	rddreg [dreg:$0x2];
	s4 =	simm.s32 $0x0  }
0x4: {  	s8 =	simm.s32 $0x1;
	s14 =	simm.s32 $0x2000;
	s15 =	simm.s32 $0x6000  }
0x5: {  	s16 =	simm.s32 $0x8000;
	s17 =	simm.s32 $0x2;
	s18 =	simm.s32 $0x3  }
0x6: {  	s19 =	simm.s32 $0x18000;
	s5 =	sand.u32 $0x1, s2;
	s30 =	sshll.u32 s0, $0x1  }
0x7: {  	s20 =	simm.s32 $0x0;
	s2 =	rddreg [dreg:$0x3];
	s6 =	sor.u32 s5, s30  }
0x8: {  	[smem:$0x7FF] =	sst s4;
	p1 =	seq.s32 s5, $0x1;
	p0 =	seq.s32 s6, $0x0  }
0x9: {  	_ =	strace $0x80000047;
	s31 =	ssub.s32 $0x2, s5;
	p0 =	por !p0, !p1  }
0xa: {  	s5 =	sshll.u32 s5, $0x11;
	s9 =	sshll.u32 s6, $0xD;
	p0 =	por !p0, !p0  }
0xb: {  	s6 =	sshll.u32 s6, $0x4;
	s11 =	sshrl.u32 s31, $0x1;
	s8 =	simm.s32 @!p0 $0x0  }
0xc: {  	s10 =	sadd.s32 s9, s7;
	s12 =	sadd.s32 s6, s7;
	s8 =	ssub.s32 s0, s8  }
0xd: {  	s13 =	ssub.s32 s31, s11;
	s6 =	simm.s32 $0x1;
	s8 =	sshll.u32 s8, $0x12  }
0xe: {  	s10 =	sadd.s32 $0xC00, s10;
	s11 =	sadd.s32 $0x40C00, s12;
	s5 =	sor.u32 s5, s8  }
0xf: {  	s12 =	smax.u32 s13, $0x1;
	s13 =	simm.s32 $0x4000;
	s8 =	sshrl.u32 s5, $0x3  }
0x10: {  	v0 =	vimm.f32 $0.0e+00;
	v1 =	vimm.f32 $1.000000000e+00;
	s9 =	sor.u32 $0x4000, s5;
	s7 =	sadd.s32 s1, s8;
	s8 =	sadd.s32 s3, s8  }
.LBB2_1:
0x11: {  	s21 =	simm.s32 $0x8100  }
0x12: {  	[tilespmem:s21+$0xFFFFFF00] =	vst v0  }
0x13: {  	[tilespmem:s21+$0xF0] =	vst v0  }
0x14: {  	[tilespmem:s21+$0xE0] =	vst v0  }
0x15: {  	[tilespmem:s21+$0xD0] =	vst v0  }
0x16: {  	[tilespmem:s21+$0xC0] =	vst v0  }
0x17: {  	[tilespmem:s21+$0xB0] =	vst v0  }
0x18: {  	[tilespmem:s21+$0xA0] =	vst v0  }
0x19: {  	[tilespmem:s21+$0x90] =	vst v0  }
0x1a: {  	[tilespmem:s21+$0x80] =	vst v0  }
0x1b: {  	[tilespmem:s21+$0x70] =	vst v0  }
0x1c: {  	[tilespmem:s21+$0x60] =	vst v0  }
0x1d: {  	[tilespmem:s21+$0x50] =	vst v0  }
0x1e: {  	[tilespmem:s21+$0x40] =	vst v0  }
0x1f: {  	[tilespmem:s21+$0x30] =	vst v0  }
0x20: {  	[tilespmem:s21+$0x20] =	vst v0  }
0x21: {  	[tilespmem:s21+$0x10] =	vst v0  }
0x22: {  	[tilespmem:s21+$0x0] =	vst v0  }
0x23: {  	[tilespmem:s21+$0xFFFFFFF0] =	vst v0  }
0x24: {  	[tilespmem:s21+$0xFFFFFFE0] =	vst v0  }
0x25: {  	[tilespmem:s21+$0xFFFFFFD0] =	vst v0  }
0x26: {  	[tilespmem:s21+$0xFFFFFFC0] =	vst v0  }
0x27: {  	[tilespmem:s21+$0xFFFFFFB0] =	vst v0  }
0x28: {  	[tilespmem:s21+$0xFFFFFFA0] =	vst v0  }
0x29: {  	[tilespmem:s21+$0xFFFFFF90] =	vst v0  }
0x2a: {  	[tilespmem:s21+$0xFFFFFF80] =	vst v0  }
0x2b: {  	[tilespmem:s21+$0xFFFFFF70] =	vst v0  }
0x2c: {  	[tilespmem:s21+$0xFFFFFF60] =	vst v0  }
0x2d: {  	[tilespmem:s21+$0xFFFFFF50] =	vst v0  }
0x2e: {  	[tilespmem:s21+$0xFFFFFF40] =	vst v0  }
0x2f: {  	[tilespmem:s21+$0xFFFFFF30] =	vst v0  }
0x30: {  	s22 =	simm.s32 $0x0;
	[tilespmem:s21+$0xFFFFFF20] =	vst v0  }
.LBB2_2:
0x31: {  	s22 =	sadd.s32 $0x8, s22;
	[tilespmem:s21+$0xFFFFFF10] =	vst v0;
	s21 =	sadd.s32 $0x200, s21  }
0x32: {  	[tilespmem:s21+$0xFFFFFF00] =	vst v0;
	p0 =	slt.u32 s22, $0x3F8  }
0x33: {  	[tilespmem:s21+$0xF0] =	vst v0  }
0x34: {  	[tilespmem:s21+$0xE0] =	vst v0  }
0x35: {  	[tilespmem:s21+$0xD0] =	vst v0  }
0x36: {  	[tilespmem:s21+$0xC0] =	vst v0  }
0x37: {  	[tilespmem:s21+$0xB0] =	vst v0  }
0x38: {  	[tilespmem:s21+$0xA0] =	vst v0  }
0x39: {  	[tilespmem:s21+$0x90] =	vst v0  }
0x3a: {  	[tilespmem:s21+$0x80] =	vst v0  }
0x3b: {  	[tilespmem:s21+$0x70] =	vst v0  }
0x3c: {  	[tilespmem:s21+$0x60] =	vst v0  }
0x3d: {  	[tilespmem:s21+$0x50] =	vst v0  }
0x3e: {  	[tilespmem:s21+$0x40] =	vst v0  }
0x3f: {  	[tilespmem:s21+$0x30] =	vst v0  }
0x40: {  	[tilespmem:s21+$0x20] =	vst v0  }
0x41: {  	[tilespmem:s21+$0x10] =	vst v0  }
0x42: {  	[tilespmem:s21+$0x0] =	vst v0  }
0x43: {  	[tilespmem:s21+$0xFFFFFFF0] =	vst v0  }
0x44: {  	[tilespmem:s21+$0xFFFFFFE0] =	vst v0  }
0x45: {  	[tilespmem:s21+$0xFFFFFFD0] =	vst v0  }
0x46: {  	[tilespmem:s21+$0xFFFFFFC0] =	vst v0  }
0x47: {  	[tilespmem:s21+$0xFFFFFFB0] =	vst v0  }
0x48: {  	[tilespmem:s21+$0xFFFFFFA0] =	vst v0  }
0x49: {  	[tilespmem:s21+$0xFFFFFF90] =	vst v0  }
0x4a: {  	[tilespmem:s21+$0xFFFFFF80] =	vst v0  }
0x4b: {  	[tilespmem:s21+$0xFFFFFF70] =	vst v0  }
.Ltmp0:
0x4c: {  	[tilespmem:s21+$0xFFFFFF60] =	vst v0;
	(pc) =	sbr.rel @p0 .LBB2_2-.Ltmp0, $4  }
0x4d: {  	[tilespmem:s21+$0xFFFFFF50] =	vst v0  }
0x4e: {  	[tilespmem:s21+$0xFFFFFF40] =	vst v0  }
0x4f: {  	[tilespmem:s21+$0xFFFFFF30] =	vst v0  }
0x50: {  	[tilespmem:s21+$0xFFFFFF20] =	vst v0  }
0x51: {  	[tilespmem:s21+$0xFFFFFF10] =	vst v0;
	s21 =	simm.s32 $0x0  }
0x52: {  	[tilespmem:s21], [sflag:$0x1] =	stream.linear.gather [hbm4b:s7+s21], $0x2000, $0x38;
	[tilespmem:$0x18080] =	vst v63  }
0x53: {  	s22 =	simm.s32 $0x0  }
0x54: {  	v7 =	vimm.f32 $0.0e+00;
	[tilespmem:s13], [sflag:$0x1] =	stream.linear.gather [hbm4b:s8+s21], $0x2000, $0x38;
	[tilespmem:$0x18080] =	vst v63  }
.LBB2_4:
0x55: {  	s23 =	sshll.u32 s22, $0xE  }
0x56: {  	s24 =	sor.u32 s23, s5  }
0x57: {  	s24 =	sshrl.u32 s24, $0x3  }
0x58: {  	s24 =	sor.u32 $0x400, s24  }
0x59: {  	s25 =	sadd.s32 s1, s24  }
0x5a: {  	[tilespmem:s14], [sflag:$0x2] =	stream.linear.gather [hbm4b:s25+s21], $0x2000, $0x38;
	[tilespmem:$0x18080] =	vst v63  }
0x5b: {  	s24 =	sadd.s32 s3, s24  }
0x5c: {  	[tilespmem:s15], [sflag:$0x2] =	stream.linear.gather [hbm4b:s24+s21], $0x2000, $0x38;
	[tilespmem:$0x18080] =	vst v63  }
0x5d: {  	_ =	swait.ge [sflag:s6], $0x2000  }
0x5e: {  	[sflag:s6] =	ssyncset.done $0x0  }
0x5f: {  	[sflag:s6] =	ssyncadd.s32 $0xFFFFE000  }
0x60: {  	s29 =	sand.u32 $0x1000, s21;
	s30 =	sand.u32 $0xC00, s21;
	_ =	swait.ge [sflag:s6], $0x2000  }
0x61: {  	s31 =	sand.u32 $0x380, s21;
	s24 =	sor.u32 s30, s29;
	[sflag:s6] =	ssyncset.done $0x0  }
0x62: {  	s25 =	sor.u32 s31, s24;
	[sflag:s6] =	ssyncadd.s32 $0xFFFFE000  }
0x63: {  	v2 =	vld [tilespmem:s25+$0x4000];
	_ =	sdelay $0x1  }
0x64: {  	v3 =	vld [tilespmem:s25+$0x4010]  }
0x65: {  	v4 =	vld [tilespmem:s25+$0x4020];
	_ =	sdelay $0x1  }
0x66: {  	v6 =	vld [tilespmem:s25+$0x4040];
	v5 =	vcvt.s32.f32 v2  }
0x67: {  	v9 =	vld [tilespmem:s25+$0x4030]  }
0x68: {  	v8 =	vcvt.s32.f32 v3;
	v7 =	vadd.f32 v5, v7  }
0x69: {  	v10 =	vld [tilespmem:s25+$0x0];
	v11 =	vcvt.s32.f32 v4  }
0x6a: {  	v12 =	vld [tilespmem:s25+$0x10];
	v5 =	vadd.f32 v5, v5;
	v7 =	vadd.f32 v8, v7  }
0x6b: {  	v18 =	vcvt.s32.f32 v6;
	v13 =	vadd.f32 v8, v8;
	v15 =	vadd.f32 v11, v11;
	v8 =	vld [tilespmem:s25+$0x4050]  }
0x6c: {  	v14 =	vld [tilespmem:s25+$0x20];
	v5 =	vadd.f32 $-1.000000000e+00, v5;
	v7 =	vadd.f32 v11, v7;
	v11 =	vcvt.s32.f32 v9  }
0x6d: {  	v16 =	vld [tilespmem:s25+$0x30];
	v19 =	vadd.f32 v18, v18;
	v13 =	vadd.f32 $-1.000000000e+00, v13  }
0x6e: {  	v10 =	vmul.f32 v5, v10;
	v5 =	vshll.u32 v9, $0xF;
	v9 =	vld [tilespmem:s25+$0x4060];
	v7 =	vadd.f32 v11, v7  }
0x6f: {  	v12 =	vmul.f32 v13, v12;
	v13 =	vadd.f32 $-1.000000000e+00, v15;
	v15 =	vld [tilespmem:s25+$0x40];
	v17 =	vadd.f32 v11, v11  }
0x70: {  	v11 =	vsub.f32 $1.000000000e+00, v10;
	v10 =	vld [tilespmem:s25+$0x4070];
	v7 =	vadd.f32 v18, v7;
	v18 =	vcvt.s32.f32 v8  }
0x71: {  	v12 =	vsub.f32 $1.000000000e+00, v12;
	v13 =	vmul.f32 v13, v14;
	v14 =	vadd.f32 $-1.000000000e+00, v17;
	v17 =	vld [tilespmem:s25+$0x50]  }
0x72: {  	v2 =	vshll.u32 v2, $0xF;
	v20 =	vadd.f32 v18, v18;
	v7 =	vadd.f32 v18, v7  }
0x73: {  	v18 =	vcvt.s32.f32 v9;
	v14 =	vmul.f32 v14, v16;
	v16 =	vadd.f32 $-1.000000000e+00, v19  }
0x74: {  	v3 =	vshll.u32 v3, $0xF;
	v13 =	vsub.f32 $1.000000000e+00, v13;
	v20 =	vadd.f32 $-1.000000000e+00, v20  }
0x75: {  	v21 =	vcvt.s32.f32 v10;
	v7 =	vadd.f32 v18, v7;
	v15 =	vmul.f32 v16, v15;
	v16 =	vld [tilespmem:s25+$0x60]  }
0x76: {  	v19 =	vadd.f32 v18, v18;
	v14 =	vsub.f32 $1.000000000e+00, v14;
	v22 =	vmul.f32 v20, v17;
	v17 =	vld [tilespmem:s25+$0x70]  }
0x77: {  	v4 =	vshll.u32 v4, $0xF;
	v24 =	vadd.f32 v21, v21;
	v7 =	vadd.f32 v21, v7  }
0x78: {  	s26 =	simm.s32 $0x400;
	v18 =	vshrl.u32 v11, $0x10;
	v15 =	vsub.f32 $1.000000000e+00, v15;
	v23 =	vadd.f32 $-1.000000000e+00, v19  }
0x79: {  	s28 =	simm.s32 $0x80;
	s24 =	simm.s32 $0x0;
	v20 =	vshrl.u32 v12, $0x10;
	v19 =	vshrl.u32 v13, $0x10;
	s25 =	simm.s32 $0x20;
	v21 =	vadd.f32 $-1.000000000e+00, v24  }
.LBB2_5:
0x7a: {  	s29 =	sand.u32 $0x1000, s28;
	s30 =	sand.u32 $0xC00, s26;
	s24 =	sadd.s32 $0x8, s24;
	v24 =	vshrl.u32 v14, $0x10;
	v22 =	vsub.f32 $1.000000000e+00, v22;
	v16 =	vmul.f32 v23, v16  }
0x7b: {  	v23 =	vshrl.u32 v15, $0x10;
	v6 =	vshll.u32 v6, $0xF;
	s29 =	sor.u32 s30, s29;
	s30 =	sand.u32 $0x380, s25;
	p0 =	slt.u32 s24, $0x1F8;
	v17 =	vmul.f32 v21, v17  }
0x7c: {  	v8 =	vshll.u32 v8, $0xF;
	s29 =	sor.u32 s30, s29;
	v21 =	vshrl.u32 v22, $0x10;
	v16 =	vsub.f32 $1.000000000e+00, v16  }
0x7d: {  	v9 =	vshll.u32 v9, $0xF;
	v10 =	vshll.u32 v10, $0xF;
	v25 =	vld [tilespmem:s29+$0x4000];
	v17 =	vsub.f32 $1.000000000e+00, v17  }
0x7e: {  	vm5 =	vgt.f32 v11, $0.0e+00;
	v18 =	vadd.s32 v2, v18;
	v26 =	vld [tilespmem:s29+$0x0];
	v11 =	vshrl.u32 v16, $0x10  }
0x7f: {  	vm6 =	vgt.f32 v12, $0.0e+00;
	v20 =	vadd.s32 v3, v20;
	v27 =	vld [tilespmem:s29+$0x4010];
	v12 =	vshrl.u32 v17, $0x10  }
0x80: {  	vm7 =	vgt.f32 v13, $0.0e+00;
	v19 =	vadd.s32 v4, v19;
	vm2 =	vgt.f32 v14, $0.0e+00;
	v28 =	vld [tilespmem:s29+$0x10]  }
0x81: {  	vm0 =	vgt.f32 v15, $0.0e+00;
	v14 =	vadd.s32 v5, v24;
	v15 =	vadd.s32 v6, v23;
	v4 =	vld [tilespmem:s29+$0x4020]  }
0x82: {  	vm3 =	vgt.f32 v22, $0.0e+00;
	v3 =	vcvt.s32.f32 v25;
	v2 =	vshll.u32 v25, $0xF;
	v13 =	vld [tilespmem:s29+$0x20]  }
0x83: {  	v21 =	vadd.s32 v8, v21;
	vm1 =	vgt.f32 v16, $0.0e+00;
	v24 =	vadd.s32 v9, v11;
	v5 =	vld [tilespmem:s29+$0x4030]  }
0x84: {  	v8 =	vadd.f32 v3, v3;
	v7 =	vadd.f32 v3, v7;
	v9 =	vcvt.s32.f32 v27;
	v22 =	vld [tilespmem:s29+$0x30]  }
0x85: {  	vm4 =	vgt.f32 v17, $0.0e+00;
	v25 =	vadd.s32 v10, v12;
	v3 =	vshll.u32 v27, $0xF;
	v6 =	vld [tilespmem:s29+$0x4040]  }
0x86: {  	v10 =	vadd.f32 v9, v9;
	v7 =	vadd.f32 v9, v7;
	v9 =	vcvt.s32.f32 v4;
	v23 =	vld [tilespmem:s29+$0x40]  }
0x87: {  	v11 =	vadd.f32 $-1.000000000e+00, v8;
	v4 =	vshll.u32 v4, $0xF;
	v8 =	vld [tilespmem:s29+$0x4050]  }
0x88: {  	v12 =	vadd.f32 v9, v9;
	v7 =	vadd.f32 v9, v7;
	v16 =	vcvt.s32.f32 v5;
	v27 =	vld [tilespmem:s29+$0x50]  }
0x89: {  	v11 =	vmul.f32 v11, v26;
	v10 =	vadd.f32 $-1.000000000e+00, v10;
	v5 =	vshll.u32 v5, $0xF;
	v9 =	vld [tilespmem:s29+$0x4060]  }
0x8a: {  	v26 =	vadd.f32 v16, v16;
	v7 =	vadd.f32 v16, v7;
	v17 =	vcvt.s32.f32 v6;
	v16 =	vld [tilespmem:s29+$0x60]  }
0x8b: {  	v11 =	vsub.f32 $1.000000000e+00, v11;
	v28 =	vmul.f32 v10, v28;
	v29 =	vadd.f32 $-1.000000000e+00, v12;
	v10 =	vld [tilespmem:s29+$0x4070]  }
0x8c: {  	v30 =	vadd.f32 v17, v17;
	v7 =	vadd.f32 v17, v7;
	v31 =	vcvt.s32.f32 v8;
	v17 =	vld [tilespmem:s29+$0x70]  }
0x8d: {  	v12 =	vsub.f32 $1.000000000e+00, v28;
	v13 =	vmul.f32 v29, v13;
	v26 =	vadd.f32 $-1.000000000e+00, v26;
	[tilespmem:v18+s16+$0x0] =	vst.idx.add.f32.msk vm5, v1  }
0x8e: {  	v18 =	vadd.f32 v31, v31;
	v7 =	vadd.f32 v31, v7;
	v28 =	vcvt.s32.f32 v9;
	[tilespmem:v20+s16+$0x0] =	vst.idx.add.f32.msk vm6, v1  }
0x8f: {  	v13 =	vsub.f32 $1.000000000e+00, v13;
	v20 =	vmul.f32 v26, v22;
	v22 =	vadd.f32 $-1.000000000e+00, v30;
	[tilespmem:v19+s16+$0x0] =	vst.idx.add.f32.msk vm7, v1  }
.Ltmp1:
0x90: {  	v19 =	vadd.f32 v28, v28;
	v7 =	vadd.f32 v28, v7;
	v26 =	vcvt.s32.f32 v10;
	[tilespmem:v14+s16+$0x0] =	vst.idx.add.f32.msk vm2, v1;
	(pc) =	sbr.rel @p0 .LBB2_5-.Ltmp1, $4  }
0x91: {  	v14 =	vsub.f32 $1.000000000e+00, v20;
	v20 =	vmul.f32 v22, v23;
	v22 =	vadd.f32 $-1.000000000e+00, v18;
	[tilespmem:v15+s16+$0x0] =	vst.idx.add.f32.msk vm0, v1  }
0x92: {  	v18 =	vshrl.u32 v11, $0x10;
	v28 =	vadd.f32 v26, v26;
	v7 =	vadd.f32 v26, v7;
	[tilespmem:v21+s16+$0x0] =	vst.idx.add.f32.msk vm3, v1  }
0x93: {  	v15 =	vsub.f32 $1.000000000e+00, v20;
	v22 =	vmul.f32 v22, v27;
	v23 =	vadd.f32 $-1.000000000e+00, v19;
	[tilespmem:v24+s16+$0x0] =	vst.idx.add.f32.msk vm1, v1  }
0x94: {  	s26 =	sadd.s32 $0x400, s26;
	s28 =	sadd.s32 $0x80, s28;
	s25 =	sadd.s32 $0x20, s25;
	v20 =	vshrl.u32 v12, $0x10;
	v19 =	vshrl.u32 v13, $0x10;
	v21 =	vadd.f32 $-1.000000000e+00, v28;
	[tilespmem:v25+s16+$0x0] =	vst.idx.add.f32.msk vm4, v1  }
0x95: {  	v24 =	vshrl.u32 v14, $0x10;
	v22 =	vsub.f32 $1.000000000e+00, v22  }
0x96: {  	v16 =	vmul.f32 v23, v16;
	v23 =	vshrl.u32 v15, $0x10;
	v6 =	vshll.u32 v6, $0xF  }
0x97: {  	vm0 =	vgt.f32 v11, $0.0e+00;
	v8 =	vshll.u32 v8, $0xF;
	v2 =	vadd.s32 v2, v18  }
0x98: {  	vm1 =	vgt.f32 v12, $0.0e+00;
	v3 =	vadd.s32 v3, v20;
	vm2 =	vgt.f32 v13, $0.0e+00  }
0x99: {  	v9 =	vshll.u32 v9, $0xF;
	v4 =	vadd.s32 v4, v19;
	vm3 =	vgt.f32 v14, $0.0e+00  }
0x9a: {  	vm4 =	vgt.f32 v15, $0.0e+00;
	v10 =	vshll.u32 v10, $0xF;
	v17 =	vmul.f32 v21, v17  }
0x9b: {  	v5 =	vadd.s32 v5, v24;
	v6 =	vadd.s32 v6, v23;
	v11 =	vsub.f32 $1.000000000e+00, v16  }
0x9c: {  	v21 =	vshrl.u32 v22, $0x10;
	vm5 =	vgt.f32 v22, $0.0e+00;
	v12 =	vsub.f32 $1.000000000e+00, v17  }
0x9d: {  	v8 =	vadd.s32 v8, v21;
	v13 =	vshrl.u32 v11, $0x10;
	vm6 =	vgt.f32 v11, $0.0e+00;
	[tilespmem:v2+s16+$0x0] =	vst.idx.add.f32.msk vm0, v1  }
0x9e: {  	v9 =	vadd.s32 v9, v13;
	vm15 =	vgt.f32 v12, $0.0e+00;
	v2 =	vshrl.u32 v12, $0x10;
	[tilespmem:v3+s16+$0x0] =	vst.idx.add.f32.msk vm1, v1  }
0x9f: {  	[tilespmem:v4+s16+$0x0] =	vst.idx.add.f32.msk vm2, v1;
	v2 =	vadd.s32 v10, v2  }
0xa0: {  	[tilespmem:v5+s16+$0x0] =	vst.idx.add.f32.msk vm3, v1  }
0xa1: {  	p0 =	seq.s32 s22, $0x7;
	[tilespmem:v6+s16+$0x0] =	vst.idx.add.f32.msk vm4, v1  }
0xa2: {  	s23 =	sadd.s32 @!p0 s23, s9;
	[tilespmem:v8+s16+$0x0] =	vst.idx.add.f32.msk vm5, v1  }
0xa3: {  	s23 =	sshrl.u32 @!p0 s23, $0x3;
	[tilespmem:v9+s16+$0x0] =	vst.idx.add.f32.msk vm6, v1  }
0xa4: {  	s25 =	simm.s32 @!p0 $0x0;
	s24 =	sadd.s32 @!p0 s1, s23;
	[tilespmem:v2+s16+$0x0] =	vst.idx.add.f32.msk vm15, v1  }
0xa5: {  	[tilespmem:s25], [sflag:$0x1] =	stream.linear.gather @!p0 [hbm4b:s24+s25], $0x2000, $0x38;
	[tilespmem:$0x18080] =	vst v63  }
0xa6: {  	s23 =	sadd.s32 @!p0 s3, s23;
	s24 =	simm.s32 @!p0 $0x4000  }
0xa7: {  	[tilespmem:s24], [sflag:$0x1] =	stream.linear.gather @!p0 [hbm4b:s23+s25], $0x2000, $0x38;
	[tilespmem:$0x18080] =	vst v63  }
0xa8: {  	_ =	swait.ge [sflag:s17], $0x2000  }
0xa9: {  	[sflag:s17] =	ssyncset.done $0x0  }
0xaa: {  	s29 =	simm.s32 $0x0;
	[sflag:s17] =	ssyncadd.s32 $0xFFFFE000  }
0xab: {  	s30 =	sand.u32 $0x1000, s29;
	s31 =	sand.u32 $0xC00, s29;
	_ =	swait.ge [sflag:s17], $0x2000  }
0xac: {  	s24 =	sor.u32 s31, s30;
	s23 =	sand.u32 $0x380, s29;
	[sflag:s17] =	ssyncset.done $0x0  }
0xad: {  	s24 =	sor.u32 s23, s24;
	[sflag:s17] =	ssyncadd.s32 $0xFFFFE000  }
0xae: {  	v2 =	vld [tilespmem:s24+$0x6000];
	_ =	sdelay $0x1  }
0xaf: {  	v3 =	vld [tilespmem:s24+$0x6010]  }
0xb0: {  	v4 =	vld [tilespmem:s24+$0x6020];
	_ =	sdelay $0x1  }
0xb1: {  	v6 =	vld [tilespmem:s24+$0x6040];
	v5 =	vcvt.s32.f32 v2  }
0xb2: {  	v9 =	vld [tilespmem:s24+$0x6030]  }
0xb3: {  	v8 =	vcvt.s32.f32 v3;
	v7 =	vadd.f32 v5, v7  }
0xb4: {  	v10 =	vld [tilespmem:s24+$0x2000];
	v11 =	vcvt.s32.f32 v4  }
0xb5: {  	v12 =	vld [tilespmem:s24+$0x2010];
	v5 =	vadd.f32 v5, v5;
	v7 =	vadd.f32 v8, v7  }
0xb6: {  	v18 =	vcvt.s32.f32 v6;
	v13 =	vadd.f32 v8, v8;
	v15 =	vadd.f32 v11, v11;
	v8 =	vld [tilespmem:s24+$0x6050]  }
0xb7: {  	v14 =	vld [tilespmem:s24+$0x2020];
	v5 =	vadd.f32 $-1.000000000e+00, v5;
	v7 =	vadd.f32 v11, v7;
	v11 =	vcvt.s32.f32 v9  }
0xb8: {  	v16 =	vld [tilespmem:s24+$0x2030];
	v19 =	vadd.f32 v18, v18;
	v13 =	vadd.f32 $-1.000000000e+00, v13  }
0xb9: {  	v10 =	vmul.f32 v5, v10;
	v5 =	vshll.u32 v9, $0xF;
	v9 =	vld [tilespmem:s24+$0x6060];
	v7 =	vadd.f32 v11, v7  }
0xba: {  	v12 =	vmul.f32 v13, v12;
	v13 =	vadd.f32 $-1.000000000e+00, v15;
	v15 =	vld [tilespmem:s24+$0x2040];
	v17 =	vadd.f32 v11, v11  }
0xbb: {  	v11 =	vsub.f32 $1.000000000e+00, v10;
	v10 =	vld [tilespmem:s24+$0x6070];
	v7 =	vadd.f32 v18, v7;
	v18 =	vcvt.s32.f32 v8  }
0xbc: {  	v12 =	vsub.f32 $1.000000000e+00, v12;
	v13 =	vmul.f32 v13, v14;
	v14 =	vadd.f32 $-1.000000000e+00, v17;
	v17 =	vld [tilespmem:s24+$0x2050]  }
0xbd: {  	v2 =	vshll.u32 v2, $0xF;
	v20 =	vadd.f32 v18, v18;
	v7 =	vadd.f32 v18, v7  }
0xbe: {  	v18 =	vcvt.s32.f32 v9;
	v14 =	vmul.f32 v14, v16;
	v16 =	vadd.f32 $-1.000000000e+00, v19  }
0xbf: {  	v3 =	vshll.u32 v3, $0xF;
	v13 =	vsub.f32 $1.000000000e+00, v13;
	v20 =	vadd.f32 $-1.000000000e+00, v20  }
0xc0: {  	v21 =	vcvt.s32.f32 v10;
	v7 =	vadd.f32 v18, v7;
	v15 =	vmul.f32 v16, v15;
	v16 =	vld [tilespmem:s24+$0x2060]  }
0xc1: {  	v19 =	vadd.f32 v18, v18;
	v14 =	vsub.f32 $1.000000000e+00, v14;
	v22 =	vmul.f32 v20, v17;
	v17 =	vld [tilespmem:s24+$0x2070]  }
0xc2: {  	v4 =	vshll.u32 v4, $0xF;
	v63 =	vadd.f32 v21, v21;
	v7 =	vadd.f32 v21, v7  }
0xc3: {  	s26 =	simm.s32 $0x80;
	v18 =	vshrl.u32 v11, $0x10;
	v15 =	vsub.f32 $1.000000000e+00, v15;
	v23 =	vadd.f32 $-1.000000000e+00, v19  }
0xc4: {  	s25 =	simm.s32 $0x400;
	s23 =	simm.s32 $0x0;
	v20 =	vshrl.u32 v12, $0x10;
	v19 =	vshrl.u32 v13, $0x10;
	s24 =	simm.s32 $0x20;
	v21 =	vadd.f32 $-1.000000000e+00, v63  }
.LBB2_7:
0xc5: {  	s28 =	sand.u32 $0x1000, s26;
	s29 =	sand.u32 $0xC00, s25;
	s23 =	sadd.s32 $0x8, s23;
	v24 =	vshrl.u32 v14, $0x10;
	v22 =	vsub.f32 $1.000000000e+00, v22;
	v16 =	vmul.f32 v23, v16  }
0xc6: {  	v23 =	vshrl.u32 v15, $0x10;
	v6 =	vshll.u32 v6, $0xF;
	s28 =	sor.u32 s29, s28;
	s29 =	sand.u32 $0x380, s24;
	p0 =	slt.u32 s23, $0x1F8;
	v17 =	vmul.f32 v21, v17  }
0xc7: {  	v8 =	vshll.u32 v8, $0xF;
	s28 =	sor.u32 s29, s28;
	v21 =	vshrl.u32 v22, $0x10;
	v16 =	vsub.f32 $1.000000000e+00, v16  }
0xc8: {  	v9 =	vshll.u32 v9, $0xF;
	v10 =	vshll.u32 v10, $0xF;
	v25 =	vld [tilespmem:s28+$0x6000];
	v17 =	vsub.f32 $1.000000000e+00, v17  }
0xc9: {  	vm5 =	vgt.f32 v11, $0.0e+00;
	v18 =	vadd.s32 v2, v18;
	v26 =	vld [tilespmem:s28+$0x2000];
	v11 =	vshrl.u32 v16, $0x10  }
0xca: {  	vm6 =	vgt.f32 v12, $0.0e+00;
	v20 =	vadd.s32 v3, v20;
	v27 =	vld [tilespmem:s28+$0x6010];
	v12 =	vshrl.u32 v17, $0x10  }
0xcb: {  	vm7 =	vgt.f32 v13, $0.0e+00;
	v19 =	vadd.s32 v4, v19;
	vm2 =	vgt.f32 v14, $0.0e+00;
	v28 =	vld [tilespmem:s28+$0x2010]  }
0xcc: {  	vm0 =	vgt.f32 v15, $0.0e+00;
	v14 =	vadd.s32 v5, v24;
	v15 =	vadd.s32 v6, v23;
	v4 =	vld [tilespmem:s28+$0x6020]  }
0xcd: {  	vm3 =	vgt.f32 v22, $0.0e+00;
	v3 =	vcvt.s32.f32 v25;
	v2 =	vshll.u32 v25, $0xF;
	v13 =	vld [tilespmem:s28+$0x2020]  }
0xce: {  	v21 =	vadd.s32 v8, v21;
	vm1 =	vgt.f32 v16, $0.0e+00;
	v24 =	vadd.s32 v9, v11;
	v5 =	vld [tilespmem:s28+$0x6030]  }
0xcf: {  	v8 =	vadd.f32 v3, v3;
	v7 =	vadd.f32 v3, v7;
	v9 =	vcvt.s32.f32 v27;
	v22 =	vld [tilespmem:s28+$0x2030]  }
0xd0: {  	vm4 =	vgt.f32 v17, $0.0e+00;
	v25 =	vadd.s32 v10, v12;
	v3 =	vshll.u32 v27, $0xF;
	v6 =	vld [tilespmem:s28+$0x6040]  }
0xd1: {  	v10 =	vadd.f32 v9, v9;
	v7 =	vadd.f32 v9, v7;
	v9 =	vcvt.s32.f32 v4;
	v23 =	vld [tilespmem:s28+$0x2040]  }
0xd2: {  	v11 =	vadd.f32 $-1.000000000e+00, v8;
	v4 =	vshll.u32 v4, $0xF;
	v8 =	vld [tilespmem:s28+$0x6050]  }
0xd3: {  	v12 =	vadd.f32 v9, v9;
	v7 =	vadd.f32 v9, v7;
	v16 =	vcvt.s32.f32 v5;
	v27 =	vld [tilespmem:s28+$0x2050]  }
0xd4: {  	v11 =	vmul.f32 v11, v26;
	v10 =	vadd.f32 $-1.000000000e+00, v10;
	v5 =	vshll.u32 v5, $0xF;
	v9 =	vld [tilespmem:s28+$0x6060]  }
0xd5: {  	v26 =	vadd.f32 v16, v16;
	v7 =	vadd.f32 v16, v7;
	v17 =	vcvt.s32.f32 v6;
	v16 =	vld [tilespmem:s28+$0x2060]  }
0xd6: {  	v11 =	vsub.f32 $1.000000000e+00, v11;
	v28 =	vmul.f32 v10, v28;
	v29 =	vadd.f32 $-1.000000000e+00, v12;
	v10 =	vld [tilespmem:s28+$0x6070]  }
0xd7: {  	v30 =	vadd.f32 v17, v17;
	v7 =	vadd.f32 v17, v7;
	v31 =	vcvt.s32.f32 v8;
	v17 =	vld [tilespmem:s28+$0x2070]  }
0xd8: {  	v12 =	vsub.f32 $1.000000000e+00, v28;
	v13 =	vmul.f32 v29, v13;
	v26 =	vadd.f32 $-1.000000000e+00, v26;
	[tilespmem:v18+s16+$0x0] =	vst.idx.add.f32.msk vm5, v1  }
0xd9: {  	v18 =	vadd.f32 v31, v31;
	v7 =	vadd.f32 v31, v7;
	v28 =	vcvt.s32.f32 v9;
	[tilespmem:v20+s16+$0x0] =	vst.idx.add.f32.msk vm6, v1  }
0xda: {  	v13 =	vsub.f32 $1.000000000e+00, v13;
	v20 =	vmul.f32 v26, v22;
	v22 =	vadd.f32 $-1.000000000e+00, v30;
	[tilespmem:v19+s16+$0x0] =	vst.idx.add.f32.msk vm7, v1  }
.Ltmp2:
0xdb: {  	v19 =	vadd.f32 v28, v28;
	v7 =	vadd.f32 v28, v7;
	v26 =	vcvt.s32.f32 v10;
	[tilespmem:v14+s16+$0x0] =	vst.idx.add.f32.msk vm2, v1;
	(pc) =	sbr.rel @p0 .LBB2_7-.Ltmp2, $4  }
0xdc: {  	v14 =	vsub.f32 $1.000000000e+00, v20;
	v20 =	vmul.f32 v22, v23;
	v22 =	vadd.f32 $-1.000000000e+00, v18;
	[tilespmem:v15+s16+$0x0] =	vst.idx.add.f32.msk vm0, v1  }
0xdd: {  	v18 =	vshrl.u32 v11, $0x10;
	v28 =	vadd.f32 v26, v26;
	v7 =	vadd.f32 v26, v7;
	[tilespmem:v21+s16+$0x0] =	vst.idx.add.f32.msk vm3, v1  }
0xde: {  	v15 =	vsub.f32 $1.000000000e+00, v20;
	v22 =	vmul.f32 v22, v27;
	v23 =	vadd.f32 $-1.000000000e+00, v19;
	[tilespmem:v24+s16+$0x0] =	vst.idx.add.f32.msk vm1, v1  }
0xdf: {  	s25 =	sadd.s32 $0x400, s25;
	s26 =	sadd.s32 $0x80, s26;
	s24 =	sadd.s32 $0x20, s24;
	v20 =	vshrl.u32 v12, $0x10;
	v19 =	vshrl.u32 v13, $0x10;
	v21 =	vadd.f32 $-1.000000000e+00, v28;
	[tilespmem:v25+s16+$0x0] =	vst.idx.add.f32.msk vm4, v1  }
0xe0: {  	v24 =	vshrl.u32 v14, $0x10;
	v22 =	vsub.f32 $1.000000000e+00, v22  }
0xe1: {  	v16 =	vmul.f32 v23, v16;
	v59 =	vshrl.u32 v15, $0x10;
	v6 =	vshll.u32 v6, $0xF  }
0xe2: {  	vm0 =	vgt.f32 v11, $0.0e+00;
	v8 =	vshll.u32 v8, $0xF;
	v2 =	vadd.s32 v2, v18  }
0xe3: {  	vm1 =	vgt.f32 v12, $0.0e+00;
	v3 =	vadd.s32 v3, v20;
	vm2 =	vgt.f32 v13, $0.0e+00  }
0xe4: {  	v9 =	vshll.u32 v9, $0xF;
	v4 =	vadd.s32 v4, v19;
	vm3 =	vgt.f32 v14, $0.0e+00  }
0xe5: {  	vm4 =	vgt.f32 v15, $0.0e+00;
	v10 =	vshll.u32 v10, $0xF;
	v17 =	vmul.f32 v21, v17  }
0xe6: {  	v5 =	vadd.s32 v5, v24;
	v6 =	vadd.s32 v6, v59;
	v61 =	vsub.f32 $1.000000000e+00, v16  }
0xe7: {  	v60 =	vshrl.u32 v22, $0x10;
	vm5 =	vgt.f32 v22, $0.0e+00;
	v62 =	vsub.f32 $1.000000000e+00, v17  }
0xe8: {  	v8 =	vadd.s32 v8, v60;
	v63 =	vshrl.u32 v61, $0x10;
	vm6 =	vgt.f32 v61, $0.0e+00;
	[tilespmem:v2+s16+$0x0] =	vst.idx.add.f32.msk vm0, v1  }
0xe9: {  	s22 =	sadd.s32 $0x1, s22;
	v9 =	vadd.s32 v9, v63;
	vm15 =	vgt.f32 v62, $0.0e+00;
	v2 =	vshrl.u32 v62, $0x10;
	[tilespmem:v3+s16+$0x0] =	vst.idx.add.f32.msk vm1, v1  }
0xea: {  	p0 =	sne.s32 s22, $0x8;
	[tilespmem:v4+s16+$0x0] =	vst.idx.add.f32.msk vm2, v1;
	v2 =	vadd.s32 v10, v2  }
.Ltmp3:
0xeb: {  	[tilespmem:v5+s16+$0x0] =	vst.idx.add.f32.msk vm3, v1;
	(pc) =	sbr.rel @p0 .LBB2_4-.Ltmp3, $4  }
0xec: {  	[tilespmem:v6+s16+$0x0] =	vst.idx.add.f32.msk vm4, v1  }
0xed: {  	[tilespmem:v8+s16+$0x0] =	vst.idx.add.f32.msk vm5, v1  }
0xee: {  	[tilespmem:v9+s16+$0x0] =	vst.idx.add.f32.msk vm6, v1  }
0xef: {  	[tilespmem:v2+s16+$0x0] =	vst.idx.add.f32.msk vm15, v1  }
0xf0: {  	[tilespmem:$0x18000] =	vst v7  }
0xf1: {  	[hbm4b:s10+s4] =	stream.linear.scatter [tilespmem:s16], [sflag:$0x3], $0x10000, $0x38;
	[tilespmem:$0x18080] =	vst v63  }
0xf2: {  	s20 =	sadd.s32 $0x1, s20;
	_ =	swait.ge [sflag:s18], $0x10000  }
0xf3: {  	p0 =	sne.s32 s20, s12;
	[sflag:s18] =	ssyncset.done $0x0  }
.Ltmp4:
0xf4: {  	[sflag:s18] =	ssyncadd.s32 $0xFFFF0000;
	(pc) =	sbr.rel @p0 .LBB2_1-.Ltmp4, $4  }
0xf5: {  	[hbm4b:s11+s4] =	stream.linear.scatter [tilespmem:s19], [sflag:$0x3], $0x80, $0x38;
	[tilespmem:$0x18080] =	vst v63  }
0xf6: {  	_ =	swait.ge [sflag:s18], $0x80  }
0xf7: {  	[sflag:s18] =	ssyncset.done $0x0  }
0xf8: {  	[sflag:s18] =	ssyncadd.s32 $0xFFFFFF80  }
0xf9: {  	_ =	sfence.sel $0x180000  }
0xfa: {  	[bflag:$0x0] =	sbarrier.arrive $0xFFFF  }
0xfb: {  	p0 =	sne.s32 s0, $0x0;
	_ =	strace $0x90000047  }
0xfc: {  	s0 =	sadd.s32 @!p0 $0x100000, s2;
	[bflag:$0x2] =	sbarrier.arrive $0xFFFF  }
0xfd: {  	[sflag:s0] =	ssyncadd.tile.s32 @!p0 $0x1;
	_ =	shalt  }
.Lfunc_end2:
_tile_overlayer_lowered:
.L_overlay_start_2:
0xfe: {  	(tag) =	ssettag $0x2  }
0xff: {  	s0 =	rddreg [dreg:$0x0];
	s2 =	stileid.u32  }
0x100: {  	s1 =	rddreg [dreg:$0x1];
	p0 =	sne.s32 s2, $0x0  }
0x101: {  	s3 =	rddreg [dreg:$0x2];
	[bflag:$0x3] =	sbarrier.arrive $0xFFFF;
	s2 =	simm.s32 @!p0 $0x1C03  }
0x102: {  	[timem:s3], [sflag:s2] =	dma.local @!p0 [hbm:s0], s1  }
0x103: {  	s0 =	simm.s32 @!p0 $0x3  }
0x104: {  	_ =	swait.ge @!p0 [sflag:s0], s1  }
0x105: {  	s1 =	ssub.s32 @!p0 $0x0, s1;
	[sflag:s0] =	ssyncset.done @!p0 $0x0  }
0x106: {  	[sflag:s0] =	ssyncadd.s32 @!p0 s1  }
0x107: {  	[bflag:$0x3] =	sbarrier.arrive $0xFFFF  }
0x108: {  	_ =	shalt  }

</sc_bundles>
